<compile_context>
chip_gen: v7x
topology: tpu7x:2x2x1
jax: 0.10.2.dev20260603
libtpu: 0.0.44.dev20260713+nightly
codegen_flags: <defaults>
</compile_context>

<pallas_src>
import dataclasses
import functools

import numpy as np

import jax
import jax.numpy as jnp
from jax import lax
from jax.experimental import pallas as pl
from jax.experimental.pallas import tpu as pltpu
from jax.experimental.pallas import tpu_sc as plsc

NC = 2
NS = 16
L = 16


def _matmul_table(feat, weight_a, weight_b):
    N, IN = feat.shape
    R, _, H = weight_a.shape

    def body(feat_ref, wa_ref, wb_ref, y_ref):
        f16 = feat_ref[...].astype(jnp.bfloat16)
        a = jnp.dot(f16, wa_ref[...].astype(jnp.bfloat16),
                    preferred_element_type=jnp.float32)
        b = jnp.dot(f16, wb_ref[...].astype(jnp.bfloat16),
                    preferred_element_type=jnp.float32)
        abits = jax.lax.bitcast_convert_type(
            a.astype(jnp.bfloat16).astype(jnp.float32), jnp.int32)
        bbits = jax.lax.bitcast_convert_type(
            b.astype(jnp.bfloat16).astype(jnp.float32), jnp.int32)
        y_ref[...] = bbits | jax.lax.shift_right_logical(abits, 16)

    return pl.pallas_call(
        body,
        grid=(R,),
        in_specs=[
            pl.BlockSpec((N, IN), lambda r: (0, 0)),
            pl.BlockSpec((None, IN, H), lambda r: (r, 0, 0)),
            pl.BlockSpec((None, IN, H), lambda r: (r, 0, 0)),
        ],
        out_specs=pl.BlockSpec((None, N, H), lambda r: (r, 0, 0)),
        out_shape=jax.ShapeDtypeStruct((R, N, H), jnp.int32),
    )(feat, weight_a, weight_b)


def _sum_partials(parts, n_out):
    _, NP, OUT = parts.shape

    def body(p_ref, o_ref):
        o_ref[...] = p_ref[0, :n_out, :] + p_ref[1, :n_out, :]

    return pl.pallas_call(
        body,
        out_shape=jax.ShapeDtypeStruct((n_out, OUT), jnp.float32),
    )(parts)


def _sc_edge_kernel(y_flat, meta, normc, zeros_nd, n_nodes):
    RN, H = y_flat.shape
    OUT = 2 * H
    total_chunks, _, k_chunk = meta.shape
    n_tiles = NC * NS
    n_chunks = total_chunks // n_tiles
    ep_tile = n_chunks * k_chunk
    rows_per_s = n_nodes // NS

    mesh = plsc.VectorSubcoreMesh(core_axis_name="c", subcore_axis_name="s")

    cp = pltpu.CompilerParams()
    if "needs_layout_passes" in pltpu.CompilerParams.__dataclass_fields__:
        cp = dataclasses.replace(cp, needs_layout_passes=False)
    if "use_tc_tiling_on_sc" in pltpu.CompilerParams.__dataclass_fields__:
        cp = dataclasses.replace(cp, use_tc_tiling_on_sc=False)

    nbuf = 2
    assert n_chunks % nbuf == 0

    @functools.partial(
        pl.kernel,
        compiler_params=cp,
        out_type=jax.ShapeDtypeStruct((NC, n_nodes, OUT), jnp.float32),
        mesh=mesh,
        scratch_types=(
            [pltpu.VMEM((2, k_chunk), jnp.int32) for _ in range(nbuf)]
            + [pltpu.VMEM((k_chunk,), jnp.float32) for _ in range(nbuf)]
            + [pltpu.VMEM((k_chunk, H), jnp.int32) for _ in range(nbuf)]
            + [pltpu.VMEM((k_chunk, OUT), jnp.float32)]
            + [pltpu.VMEM_SHARED((n_nodes, OUT), jnp.float32)]
            + [pltpu.SemaphoreType.DMA for _ in range(nbuf)]
        ),
    )
    def k(y_hbm, meta_hbm, normc_hbm, z_hbm, part_hbm, *scr):
        metas = scr[0:nbuf]
        norms = scr[nbuf:2 * nbuf]
        rows = scr[2 * nbuf:3 * nbuf]
        stage_v = scr[3 * nbuf]
        acc_sh = scr[3 * nbuf + 1]
        sems = scr[3 * nbuf + 2:3 * nbuf + 2 + nbuf]

        c = lax.axis_index("c")
        s = lax.axis_index("s")
        wid = c * NS + s
        cbase = wid * n_chunks

        pltpu.sync_copy(z_hbm.at[pl.ds(s * rows_per_s, rows_per_s)],
                        acc_sh.at[pl.ds(s * rows_per_s, rows_per_s)])
        plsc.subcore_barrier()

        def meta_sync(ci, meta_v, norm_v):
            pltpu.sync_copy(meta_hbm.at[cbase + ci], meta_v)
            pltpu.sync_copy(normc_hbm.at[cbase + ci], norm_v)

        def gather_start(meta_v, rows_v, sem):
            pltpu.async_copy(y_hbm.at[meta_v.at[0]], rows_v, sem)

        def gather_wait(meta_v, rows_v, sem):
            pltpu.make_async_copy(y_hbm.at[meta_v.at[0]], rows_v, sem).wait()

        def scale_and_scatter(meta_v, norm_v, rows_v):
            @plsc.parallel_loop(0, k_chunk, unroll=4)
            def _(e):
                nv = plsc.load_gather(norm_v, [jnp.full((L,), e, jnp.int32)])
                for j in range(OUT // (2 * L)):
                    w16 = rows_v[e, pl.ds(j * L, L)]
                    v = plsc.bitcast(w16, jnp.bfloat16)
                    a, b = plsc.unpack(v, format=plsc.PackFormat.INTERLEAVED)
                    stage_v[e, pl.ds(j * 2 * L, L)] = a * nv
                    stage_v[e, pl.ds(j * 2 * L + L, L)] = b * nv

            pltpu.sync_copy(stage_v, acc_sh.at[meta_v.at[1]], add=True)

        for b in range(nbuf):
            meta_sync(b, metas[b], norms[b])
            gather_start(metas[b], rows[b], sems[b])

        @pl.loop(0, n_chunks // nbuf)
        def _(h):
            for b in range(nbuf):
                ci = h * nbuf + b
                gather_wait(metas[b], rows[b], sems[b])
                scale_and_scatter(metas[b], norms[b], rows[b])

                @pl.when(ci + nbuf < n_chunks)
                def _():
                    meta_sync(ci + nbuf, metas[b], norms[b])
                    gather_start(metas[b], rows[b], sems[b])

        plsc.subcore_barrier()
        pltpu.sync_copy(acc_sh.at[pl.ds(s * rows_per_s, rows_per_s)],
                        part_hbm.at[c, pl.ds(s * rows_per_s, rows_per_s)])

    return k(y_flat, meta, normc, zeros_nd)


def kernel(feat, edge_index, etypes, norm, weight):
    N, IN = feat.shape
    R, _, OUT = weight.shape
    E = edge_index.shape[1]

    src = edge_index[0]
    dst = edge_index[1]

    i16 = np.arange(16)
    qa = np.concatenate([32 * j + i16 for j in range(OUT // 32)])
    qb = qa + 16

    y = _matmul_table(feat, weight[:, :, qa], weight[:, :, qb])
    y_flat = y.reshape(R * N, OUT // 2)

    k_chunk = 128
    n_tiles = NC * NS
    quantum = n_tiles * k_chunk * 2
    ep = ((E + quantum - 1) // quantum) * quantum
    pad = ep - E
    gidx = etypes.astype(jnp.int32) * N + src.astype(jnp.int32)
    gidx = jnp.concatenate([gidx, jnp.zeros((pad,), jnp.int32)])
    dstp = jnp.concatenate([dst.astype(jnp.int32), jnp.zeros((pad,), jnp.int32)])
    normf = jnp.concatenate([norm.reshape(E).astype(jnp.float32),
                             jnp.zeros((pad,), jnp.float32)])
    meta = jnp.stack([gidx.reshape(-1, k_chunk), dstp.reshape(-1, k_chunk)],
                     axis=1)
    normc = normf.reshape(-1, k_chunk)

    n_pad = ((N + NS * 8 - 1) // (NS * 8)) * (NS * 8)
    zeros_nd = jnp.zeros((n_pad, OUT), jnp.float32)

    parts = _sc_edge_kernel(y_flat, meta, normc, zeros_nd, n_pad)

    return _sum_partials(parts, N)

# --- scband reference (transcript-rebuilt; emitter-appended) ---
"""Pipeline reference for scband-rgcnhigh-mem-conv-8409545965795 (READ-ONLY COPY).

The authoritative reference and input builder live on the scoring server;
editing this copy changes nothing except your own understanding.
"""

import jax, jax.numpy as jnp
import numpy as np

N = 10000
E = 320000
IN = 128
OUT = 128
R = 16


def setup_inputs(seed: int = 0) -> dict:
    key = jax.random.key(seed)
    k1, k2, k3, k4, k5 = jax.random.split(key, 5)
    feat = jax.random.normal(k1, (N, IN), dtype=jnp.float32)
    edge_index = jax.random.randint(k2, (2, E), 0, N, dtype=jnp.int32)
    etypes = jax.random.randint(k3, (E,), 0, R, dtype=jnp.int32)
    norm = jax.random.uniform(k4, (E, 1), dtype=jnp.float32)
    bound = 1.0 / np.sqrt(IN)
    weight = jax.random.uniform(k5, (R, IN, OUT), dtype=jnp.float32, minval=-bound, maxval=bound)
    return {"feat": feat, "edge_index": edge_index, "etypes": etypes, "norm": norm, "weight": weight}


def reference(feat, edge_index, etypes, norm, weight):
    # RGCN message passing: for each edge e with relation r_e,
    #   msg_e = (feat[src_e] @ W[r_e]) * norm_e ;  out[n] = sum_{e: dst_e=n} msg_e
    # norm_e is a per-edge scalar, so (h @ W) * norm == (h * norm) @ W.
    # We therefore aggregate (h * norm) by (relation, dst) via segment_sum and
    # then apply the per-relation transform once -- mathematically identical
    # to the per-edge bmm in the original module, without materializing
    # an [E, IN, OUT] tensor.
    src = edge_index[0]
    dst = edge_index[1]
    h = jnp.take(feat, src, axis=0)              # [E, IN] gather
    hn = h * norm                                 # [E, IN]
    seg = etypes.astype(jnp.int32) * N + dst.astype(jnp.int32)  # combined (rel, dst) segment id
    agg = jax.ops.segment_sum(hn, seg, num_segments=R * N)       # [R*N, IN] scatter-add
    agg = agg.reshape(R, N, IN)
    out = jnp.einsum('rni,rio->no', agg, weight)  # [N, OUT]
    return out

if __name__ == "__main__":
    import jax
    _d = setup_inputs()
    print(jax.jit(kernel)(*tuple(_d.values())))

</pallas_src>

<mosaic_0001>
#map = affine_map<(d0, d1) -> (0, 0)>
#map1 = affine_map<(d0, d1) -> (0, 0, 0)>
module attributes {stable_mosaic.version = 14 : i64} {
  func.func @k(%arg0: i32, %arg1: i32, %arg2: memref<160000x64xi32, #tpu.memory_space<hbm>>, %arg3: memref<2560x2x128xi32, #tpu.memory_space<hbm>>, %arg4: memref<2560x128xf32, #tpu.memory_space<hbm>>, %arg5: memref<10112x128xf32, #tpu.memory_space<hbm>>, %arg6: memref<2x10112x128xf32, #tpu.memory_space<hbm>>, %arg7: memref<2x128xi32, #tpu.memory_space<vmem>>, %arg8: memref<2x128xi32, #tpu.memory_space<vmem>>, %arg9: memref<128xf32, #tpu.memory_space<vmem>>, %arg10: memref<128xf32, #tpu.memory_space<vmem>>, %arg11: memref<128x64xi32, #tpu.memory_space<vmem>>, %arg12: memref<128x64xi32, #tpu.memory_space<vmem>>, %arg13: memref<128x128xf32, #tpu.memory_space<vmem>>, %arg14: memref<10112x128xf32, #tpu.memory_space<vmem_shared>>, %arg15: memref<!tpu.dma_semaphore, #tpu.memory_space<semaphore_mem>>, %arg16: memref<!tpu.dma_semaphore, #tpu.memory_space<semaphore_mem>>) attributes {dimension_semantics = [#tpu.dimension_semantics<core_parallel>, #tpu.dimension_semantics<subcore_parallel>], iteration_bounds = array<i64: 2, 16>, scalar_prefetch = 0 : i64, scratch_operands = 10 : i64, tpu.core_type = #tpu.core_type<sc_vector_subcore>, window_params = [{transform_indices = #map}, {transform_indices = #map1}, {transform_indices = #map}, {transform_indices = #map}, {transform_indices = #map1}]} {
    %mul3A = arith.constant 16 : i32
    %mul3A_0 = arith.muli %arg0, %mul3A : i32
    %add3A = arith.addi %mul3A_0, %arg1 : i32
    %mul3A_1 = arith.constant 80 : i32
    %mul3A_2 = arith.muli %add3A, %mul3A_1 : i32
    %mul3A_3 = arith.constant 632 : i32
    %mul3A_4 = arith.muli %arg1, %mul3A_3 : i32
    %mul3A_5 = arith.constant 632 : i32
    %mul3A_6 = arith.muli %arg1, %mul3A_5 : i32
    "tpu.region"() ({
      %run_scoped3A = tpu.sem_alloc : memref<!tpu.dma_semaphore, #tpu.memory_space<semaphore_mem>>
      %dma_start3A_37 = arith.constant 0 : i32
      %dma_start3A_38 = tpu.memref_slice %arg14[%mul3A_6, %dma_start3A_37] : memref<10112x128xf32, #tpu.memory_space<vmem_shared>> -> memref<632x128xf32, #tpu.memory_space<vmem_shared>>
      %dma_start3A_39 = arith.constant 0 : i32
      %dma_start3A_40 = tpu.memref_slice %arg5[%mul3A_4, %dma_start3A_39] : memref<10112x128xf32, #tpu.memory_space<hbm>> -> memref<632x128xf32, #tpu.memory_space<hbm>>
      tpu.enqueue_dma source(%dma_start3A_40 : memref<632x128xf32, #tpu.memory_space<hbm>>) target(%dma_start3A_38 : memref<632x128xf32, #tpu.memory_space<vmem_shared>>) target_semaphore(%run_scoped3A : memref<!tpu.dma_semaphore, #tpu.memory_space<semaphore_mem>>)
      %dma_wait3A = arith.constant 0 : i32
      %dma_wait3A_41 = tpu.memref_slice %arg14[%mul3A_6, %dma_wait3A] : memref<10112x128xf32, #tpu.memory_space<vmem_shared>> -> memref<632x128xf32, #tpu.memory_space<vmem_shared>>
      %dma_wait3A_42 = arith.constant 0 : i32
      %dma_wait3A_43 = tpu.memref_slice %arg5[%mul3A_4, %dma_wait3A_42] : memref<10112x128xf32, #tpu.memory_space<hbm>> -> memref<632x128xf32, #tpu.memory_space<hbm>>
      tpu.wait_dma2 semaphore(%run_scoped3A : memref<!tpu.dma_semaphore, #tpu.memory_space<semaphore_mem>>) src(%dma_wait3A_43 : memref<632x128xf32, #tpu.memory_space<hbm>>) dst(%dma_wait3A_41 : memref<632x128xf32, #tpu.memory_space<vmem_shared>>)
      tpu.yield
    }) : () -> ()
    %barrier3A = arith.constant 0 : index
    tpu.barrier barrier_id(%barrier3A)
    %add3A_7 = arith.constant 0 : i32
    %add3A_8 = arith.addi %mul3A_2, %add3A_7 : i32
    "tpu.region"() ({
      %run_scoped3A = tpu.sem_alloc : memref<!tpu.dma_semaphore, #tpu.memory_space<semaphore_mem>>
      %dma_start3A_37 = arith.constant 0 : i32
      %dma_start3A_38 = arith.constant 0 : i32
      %dma_start3A_39 = tpu.memref_slice %arg3[%add3A_8, %dma_start3A_37, %dma_start3A_38] : memref<2560x2x128xi32, #tpu.memory_space<hbm>> -> memref<1x2x128xi32, #tpu.memory_space<hbm>>
      %dma_start3A_40 = tpu.memref_squeeze %dma_start3A_39 : memref<1x2x128xi32, #tpu.memory_space<hbm>> -> memref<2x128xi32, #tpu.memory_space<hbm>>
      %dma_start3A_41 = arith.constant 0 : i32
      %dma_start3A_42 = arith.constant 0 : i32
      %dma_start3A_43 = tpu.memref_slice %arg3[%add3A_8, %dma_start3A_41, %dma_start3A_42] : memref<2560x2x128xi32, #tpu.memory_space<hbm>> -> memref<1x2x128xi32, #tpu.memory_space<hbm>>
      %dma_start3A_44 = tpu.memref_squeeze %dma_start3A_43 : memref<1x2x128xi32, #tpu.memory_space<hbm>> -> memref<2x128xi32, #tpu.memory_space<hbm>>
      tpu.enqueue_dma source(%dma_start3A_44 : memref<2x128xi32, #tpu.memory_space<hbm>>) target(%arg7 : memref<2x128xi32, #tpu.memory_space<vmem>>) target_semaphore(%run_scoped3A : memref<!tpu.dma_semaphore, #tpu.memory_space<semaphore_mem>>)
      %dma_wait3A = arith.constant 0 : i32
      %dma_wait3A_45 = arith.constant 0 : i32
      %dma_wait3A_46 = tpu.memref_slice %arg3[%add3A_8, %dma_wait3A, %dma_wait3A_45] : memref<2560x2x128xi32, #tpu.memory_space<hbm>> -> memref<1x2x128xi32, #tpu.memory_space<hbm>>
      %dma_wait3A_47 = tpu.memref_squeeze %dma_wait3A_46 : memref<1x2x128xi32, #tpu.memory_space<hbm>> -> memref<2x128xi32, #tpu.memory_space<hbm>>
      %dma_wait3A_48 = arith.constant 0 : i32
      %dma_wait3A_49 = arith.constant 0 : i32
      %dma_wait3A_50 = tpu.memref_slice %arg3[%add3A_8, %dma_wait3A_48, %dma_wait3A_49] : memref<2560x2x128xi32, #tpu.memory_space<hbm>> -> memref<1x2x128xi32, #tpu.memory_space<hbm>>
      %dma_wait3A_51 = tpu.memref_squeeze %dma_wait3A_50 : memref<1x2x128xi32, #tpu.memory_space<hbm>> -> memref<2x128xi32, #tpu.memory_space<hbm>>
      tpu.wait_dma2 semaphore(%run_scoped3A : memref<!tpu.dma_semaphore, #tpu.memory_space<semaphore_mem>>) src(%dma_wait3A_51 : memref<2x128xi32, #tpu.memory_space<hbm>>) dst(%arg7 : memref<2x128xi32, #tpu.memory_space<vmem>>)
      tpu.yield
    }) : () -> ()
    %add3A_9 = arith.constant 0 : i32
    %add3A_10 = arith.addi %mul3A_2, %add3A_9 : i32
    "tpu.region"() ({
      %run_scoped3A = tpu.sem_alloc : memref<!tpu.dma_semaphore, #tpu.memory_space<semaphore_mem>>
      %dma_start3A_37 = arith.constant 0 : i32
      %dma_start3A_38 = tpu.memref_slice %arg4[%add3A_10, %dma_start3A_37] : memref<2560x128xf32, #tpu.memory_space<hbm>> -> memref<1x128xf32, #tpu.memory_space<hbm>>
      %dma_start3A_39 = tpu.memref_squeeze %dma_start3A_38 : memref<1x128xf32, #tpu.memory_space<hbm>> -> memref<128xf32, #tpu.memory_space<hbm>>
      %dma_start3A_40 = arith.constant 0 : i32
      %dma_start3A_41 = tpu.memref_slice %arg4[%add3A_10, %dma_start3A_40] : memref<2560x128xf32, #tpu.memory_space<hbm>> -> memref<1x128xf32, #tpu.memory_space<hbm>>
      %dma_start3A_42 = tpu.memref_squeeze %dma_start3A_41 : memref<1x128xf32, #tpu.memory_space<hbm>> -> memref<128xf32, #tpu.memory_space<hbm>>
      tpu.enqueue_dma source(%dma_start3A_42 : memref<128xf32, #tpu.memory_space<hbm>>) target(%arg9 : memref<128xf32, #tpu.memory_space<vmem>>) target_semaphore(%run_scoped3A : memref<!tpu.dma_semaphore, #tpu.memory_space<semaphore_mem>>)
      %dma_wait3A = arith.constant 0 : i32
      %dma_wait3A_43 = tpu.memref_slice %arg4[%add3A_10, %dma_wait3A] : memref<2560x128xf32, #tpu.memory_space<hbm>> -> memref<1x128xf32, #tpu.memory_space<hbm>>
      %dma_wait3A_44 = tpu.memref_squeeze %dma_wait3A_43 : memref<1x128xf32, #tpu.memory_space<hbm>> -> memref<128xf32, #tpu.memory_space<hbm>>
      %dma_wait3A_45 = arith.constant 0 : i32
      %dma_wait3A_46 = tpu.memref_slice %arg4[%add3A_10, %dma_wait3A_45] : memref<2560x128xf32, #tpu.memory_space<hbm>> -> memref<1x128xf32, #tpu.memory_space<hbm>>
      %dma_wait3A_47 = tpu.memref_squeeze %dma_wait3A_46 : memref<1x128xf32, #tpu.memory_space<hbm>> -> memref<128xf32, #tpu.memory_space<hbm>>
      tpu.wait_dma2 semaphore(%run_scoped3A : memref<!tpu.dma_semaphore, #tpu.memory_space<semaphore_mem>>) src(%dma_wait3A_47 : memref<128xf32, #tpu.memory_space<hbm>>) dst(%arg9 : memref<128xf32, #tpu.memory_space<vmem>>)
      tpu.yield
    }) : () -> ()
    %dma_start3A = arith.constant 0 : i32
    %dma_start3A_11 = arith.constant 0 : i32
    %dma_start3A_12 = tpu.memref_slice %arg7[%dma_start3A, %dma_start3A_11] : memref<2x128xi32, #tpu.memory_space<vmem>> -> memref<1x128xi32, #tpu.memory_space<vmem>>
    %dma_start3A_13 = tpu.memref_squeeze %dma_start3A_12 : memref<1x128xi32, #tpu.memory_space<vmem>> -> memref<128xi32, #tpu.memory_space<vmem>>
    %dma_start3A_14 = arith.constant 0 : i32
    %dma_start3A_15 = arith.constant 0 : i32
    %dma_start3A_16 = tpu.memref_slice %arg2[%dma_start3A_14, %dma_start3A_15] : memref<160000x64xi32, #tpu.memory_space<hbm>> -> memref<160000x64xi32, #tpu.memory_space<hbm>>
    tpu.enqueue_indirect_dma source(%dma_start3A_16 : memref<160000x64xi32, #tpu.memory_space<hbm>>) target(%arg11 : memref<128x64xi32, #tpu.memory_space<vmem>>) offsets(%dma_start3A_13 : memref<128xi32, #tpu.memory_space<vmem>>) semaphore(%arg15 : memref<!tpu.dma_semaphore, #tpu.memory_space<semaphore_mem>>)
    %add3A_17 = arith.constant 1 : i32
    %add3A_18 = arith.addi %mul3A_2, %add3A_17 : i32
    "tpu.region"() ({
      %run_scoped3A = tpu.sem_alloc : memref<!tpu.dma_semaphore, #tpu.memory_space<semaphore_mem>>
      %dma_start3A_37 = arith.constant 0 : i32
      %dma_start3A_38 = arith.constant 0 : i32
      %dma_start3A_39 = tpu.memref_slice %arg3[%add3A_18, %dma_start3A_37, %dma_start3A_38] : memref<2560x2x128xi32, #tpu.memory_space<hbm>> -> memref<1x2x128xi32, #tpu.memory_space<hbm>>
      %dma_start3A_40 = tpu.memref_squeeze %dma_start3A_39 : memref<1x2x128xi32, #tpu.memory_space<hbm>> -> memref<2x128xi32, #tpu.memory_space<hbm>>
      %dma_start3A_41 = arith.constant 0 : i32
      %dma_start3A_42 = arith.constant 0 : i32
      %dma_start3A_43 = tpu.memref_slice %arg3[%add3A_18, %dma_start3A_41, %dma_start3A_42] : memref<2560x2x128xi32, #tpu.memory_space<hbm>> -> memref<1x2x128xi32, #tpu.memory_space<hbm>>
      %dma_start3A_44 = tpu.memref_squeeze %dma_start3A_43 : memref<1x2x128xi32, #tpu.memory_space<hbm>> -> memref<2x128xi32, #tpu.memory_space<hbm>>
      tpu.enqueue_dma source(%dma_start3A_44 : memref<2x128xi32, #tpu.memory_space<hbm>>) target(%arg8 : memref<2x128xi32, #tpu.memory_space<vmem>>) target_semaphore(%run_scoped3A : memref<!tpu.dma_semaphore, #tpu.memory_space<semaphore_mem>>)
      %dma_wait3A = arith.constant 0 : i32
      %dma_wait3A_45 = arith.constant 0 : i32
      %dma_wait3A_46 = tpu.memref_slice %arg3[%add3A_18, %dma_wait3A, %dma_wait3A_45] : memref<2560x2x128xi32, #tpu.memory_space<hbm>> -> memref<1x2x128xi32, #tpu.memory_space<hbm>>
      %dma_wait3A_47 = tpu.memref_squeeze %dma_wait3A_46 : memref<1x2x128xi32, #tpu.memory_space<hbm>> -> memref<2x128xi32, #tpu.memory_space<hbm>>
      %dma_wait3A_48 = arith.constant 0 : i32
      %dma_wait3A_49 = arith.constant 0 : i32
      %dma_wait3A_50 = tpu.memref_slice %arg3[%add3A_18, %dma_wait3A_48, %dma_wait3A_49] : memref<2560x2x128xi32, #tpu.memory_space<hbm>> -> memref<1x2x128xi32, #tpu.memory_space<hbm>>
      %dma_wait3A_51 = tpu.memref_squeeze %dma_wait3A_50 : memref<1x2x128xi32, #tpu.memory_space<hbm>> -> memref<2x128xi32, #tpu.memory_space<hbm>>
      tpu.wait_dma2 semaphore(%run_scoped3A : memref<!tpu.dma_semaphore, #tpu.memory_space<semaphore_mem>>) src(%dma_wait3A_51 : memref<2x128xi32, #tpu.memory_space<hbm>>) dst(%arg8 : memref<2x128xi32, #tpu.memory_space<vmem>>)
      tpu.yield
    }) : () -> ()
    %add3A_19 = arith.constant 1 : i32
    %add3A_20 = arith.addi %mul3A_2, %add3A_19 : i32
    "tpu.region"() ({
      %run_scoped3A = tpu.sem_alloc : memref<!tpu.dma_semaphore, #tpu.memory_space<semaphore_mem>>
      %dma_start3A_37 = arith.constant 0 : i32
      %dma_start3A_38 = tpu.memref_slice %arg4[%add3A_20, %dma_start3A_37] : memref<2560x128xf32, #tpu.memory_space<hbm>> -> memref<1x128xf32, #tpu.memory_space<hbm>>
      %dma_start3A_39 = tpu.memref_squeeze %dma_start3A_38 : memref<1x128xf32, #tpu.memory_space<hbm>> -> memref<128xf32, #tpu.memory_space<hbm>>
      %dma_start3A_40 = arith.constant 0 : i32
      %dma_start3A_41 = tpu.memref_slice %arg4[%add3A_20, %dma_start3A_40] : memref<2560x128xf32, #tpu.memory_space<hbm>> -> memref<1x128xf32, #tpu.memory_space<hbm>>
      %dma_start3A_42 = tpu.memref_squeeze %dma_start3A_41 : memref<1x128xf32, #tpu.memory_space<hbm>> -> memref<128xf32, #tpu.memory_space<hbm>>
      tpu.enqueue_dma source(%dma_start3A_42 : memref<128xf32, #tpu.memory_space<hbm>>) target(%arg10 : memref<128xf32, #tpu.memory_space<vmem>>) target_semaphore(%run_scoped3A : memref<!tpu.dma_semaphore, #tpu.memory_space<semaphore_mem>>)
      %dma_wait3A = arith.constant 0 : i32
      %dma_wait3A_43 = tpu.memref_slice %arg4[%add3A_20, %dma_wait3A] : memref<2560x128xf32, #tpu.memory_space<hbm>> -> memref<1x128xf32, #tpu.memory_space<hbm>>
      %dma_wait3A_44 = tpu.memref_squeeze %dma_wait3A_43 : memref<1x128xf32, #tpu.memory_space<hbm>> -> memref<128xf32, #tpu.memory_space<hbm>>
      %dma_wait3A_45 = arith.constant 0 : i32
      %dma_wait3A_46 = tpu.memref_slice %arg4[%add3A_20, %dma_wait3A_45] : memref<2560x128xf32, #tpu.memory_space<hbm>> -> memref<1x128xf32, #tpu.memory_space<hbm>>
      %dma_wait3A_47 = tpu.memref_squeeze %dma_wait3A_46 : memref<1x128xf32, #tpu.memory_space<hbm>> -> memref<128xf32, #tpu.memory_space<hbm>>
      tpu.wait_dma2 semaphore(%run_scoped3A : memref<!tpu.dma_semaphore, #tpu.memory_space<semaphore_mem>>) src(%dma_wait3A_47 : memref<128xf32, #tpu.memory_space<hbm>>) dst(%arg10 : memref<128xf32, #tpu.memory_space<vmem>>)
      tpu.yield
    }) : () -> ()
    %dma_start3A_21 = arith.constant 0 : i32
    %dma_start3A_22 = arith.constant 0 : i32
    %dma_start3A_23 = tpu.memref_slice %arg8[%dma_start3A_21, %dma_start3A_22] : memref<2x128xi32, #tpu.memory_space<vmem>> -> memref<1x128xi32, #tpu.memory_space<vmem>>
    %dma_start3A_24 = tpu.memref_squeeze %dma_start3A_23 : memref<1x128xi32, #tpu.memory_space<vmem>> -> memref<128xi32, #tpu.memory_space<vmem>>
    %dma_start3A_25 = arith.constant 0 : i32
    %dma_start3A_26 = arith.constant 0 : i32
    %dma_start3A_27 = tpu.memref_slice %arg2[%dma_start3A_25, %dma_start3A_26] : memref<160000x64xi32, #tpu.memory_space<hbm>> -> memref<160000x64xi32, #tpu.memory_space<hbm>>
    tpu.enqueue_indirect_dma source(%dma_start3A_27 : memref<160000x64xi32, #tpu.memory_space<hbm>>) target(%arg12 : memref<128x64xi32, #tpu.memory_space<vmem>>) offsets(%dma_start3A_24 : memref<128xi32, #tpu.memory_space<vmem>>) semaphore(%arg16 : memref<!tpu.dma_semaphore, #tpu.memory_space<semaphore_mem>>)
    %scan3A = arith.constant 0 : i32
    %scan3A_28 = arith.constant 40 : i32
    %scan3A_29 = arith.addi %scan3A, %scan3A_28 : i32
    %scan3A_30 = arith.constant 1 : i32
    scf.for %scan3A_37 = %scan3A to %scan3A_29 step %scan3A_30  : i32 {
      %mul3A_38 = arith.constant 1 : i32
      %mul3A_39 = arith.muli %scan3A_37, %mul3A_38 : i32
      %add3A_40 = arith.constant 0 : i32
      %add3A_41 = arith.addi %add3A_40, %mul3A_39 : i32
      %mul3A_42 = arith.constant 2 : i32
      %mul3A_43 = arith.muli %add3A_41, %mul3A_42 : i32
      %add3A_44 = arith.constant 0 : i32
      %add3A_45 = arith.addi %mul3A_43, %add3A_44 : i32
      %dma_wait3A = arith.constant 0 : i32
      %dma_wait3A_46 = arith.constant 0 : i32
      %dma_wait3A_47 = tpu.memref_slice %arg7[%dma_wait3A, %dma_wait3A_46] : memref<2x128xi32, #tpu.memory_space<vmem>> -> memref<1x128xi32, #tpu.memory_space<vmem>>
      %dma_wait3A_48 = tpu.memref_squeeze %dma_wait3A_47 : memref<1x128xi32, #tpu.memory_space<vmem>> -> memref<128xi32, #tpu.memory_space<vmem>>
      %dma_wait3A_49 = arith.constant 0 : i32
      %dma_wait3A_50 = arith.constant 0 : i32
      %dma_wait3A_51 = tpu.memref_slice %arg2[%dma_wait3A_49, %dma_wait3A_50] : memref<160000x64xi32, #tpu.memory_space<hbm>> -> memref<160000x64xi32, #tpu.memory_space<hbm>>
      tpu.wait_indirect_dma semaphore(%arg15 : memref<!tpu.dma_semaphore, #tpu.memory_space<semaphore_mem>>) src(%dma_wait3A_51 : memref<160000x64xi32, #tpu.memory_space<hbm>>) dst(%arg11 : memref<128x64xi32, #tpu.memory_space<vmem>>)
      %parallel_loop3A = arith.constant 0 : i32
      %parallel_loop3A_52 = arith.constant 128 : i32
      %parallel_loop3A_53 = arith.constant 1 : i32
      scf.for %parallel_loop3A_80 = %parallel_loop3A to %parallel_loop3A_52 step %parallel_loop3A_53  : i32 {
        %parallel_loop3A_81 = vector.broadcast %parallel_loop3A_80 : i32 to vector<16xi32>
        %parallel_loop3A_82 = tpu.vector_load_idx %arg9[%parallel_loop3A_81] : memref<128xf32, #tpu.memory_space<vmem>>[vector<16xi32>], vector<16xf32>,
        %parallel_loop3A_83 = arith.index_cast %parallel_loop3A_80 : i32 to index
        %parallel_loop3A_84 = arith.constant 0 : index
        %parallel_loop3A_85 = tpu.vector_load %arg11[%parallel_loop3A_83, %parallel_loop3A_84] {strides = array<i32>} : memref<128x64xi32, #tpu.memory_space<vmem>>, vector<16xi32>,
        %parallel_loop3A_86 = vector.bitcast %parallel_loop3A_85 : vector<16xi32> to vector<32xbf16>
        %parallel_loop3A_87 = tpu.unpack_subelements %parallel_loop3A_86, 0 {pack_format = #tpu.pack_format<interleaved>} : vector<32xbf16> -> vector<16xf32>
        %parallel_loop3A_88 = tpu.unpack_subelements %parallel_loop3A_86, 1 {pack_format = #tpu.pack_format<interleaved>} : vector<32xbf16> -> vector<16xf32>
        %parallel_loop3A_89 = arith.mulf %parallel_loop3A_87, %parallel_loop3A_82 : vector<16xf32>
        %parallel_loop3A_90 = arith.index_cast %parallel_loop3A_80 : i32 to index
        %parallel_loop3A_91 = arith.constant 0 : index
        %parallel_loop3A_92 = tpu.vector_load %arg13[%parallel_loop3A_90, %parallel_loop3A_91] {strides = array<i32>} : memref<128x128xf32, #tpu.memory_space<vmem>>, vector<16xf32>,
        tpu.vector_store %arg13[%parallel_loop3A_90, %parallel_loop3A_91], %parallel_loop3A_89 {strides = array<i32>} : memref<128x128xf32, #tpu.memory_space<vmem>>, vector<16xf32>,
        %parallel_loop3A_93 = arith.mulf %parallel_loop3A_88, %parallel_loop3A_82 : vector<16xf32>
        %parallel_loop3A_94 = arith.index_cast %parallel_loop3A_80 : i32 to index
        %parallel_loop3A_95 = arith.constant 16 : index
        %parallel_loop3A_96 = tpu.vector_load %arg13[%parallel_loop3A_94, %parallel_loop3A_95] {strides = array<i32>} : memref<128x128xf32, #tpu.memory_space<vmem>>, vector<16xf32>,
        tpu.vector_store %arg13[%parallel_loop3A_94, %parallel_loop3A_95], %parallel_loop3A_93 {strides = array<i32>} : memref<128x128xf32, #tpu.memory_space<vmem>>, vector<16xf32>,
        %parallel_loop3A_97 = arith.index_cast %parallel_loop3A_80 : i32 to index
        %parallel_loop3A_98 = arith.constant 16 : index
        %parallel_loop3A_99 = tpu.vector_load %arg11[%parallel_loop3A_97, %parallel_loop3A_98] {strides = array<i32>} : memref<128x64xi32, #tpu.memory_space<vmem>>, vector<16xi32>,
        %parallel_loop3A_100 = vector.bitcast %parallel_loop3A_99 : vector<16xi32> to vector<32xbf16>
        %parallel_loop3A_101 = tpu.unpack_subelements %parallel_loop3A_100, 0 {pack_format = #tpu.pack_format<interleaved>} : vector<32xbf16> -> vector<16xf32>
        %parallel_loop3A_102 = tpu.unpack_subelements %parallel_loop3A_100, 1 {pack_format = #tpu.pack_format<interleaved>} : vector<32xbf16> -> vector<16xf32>
        %parallel_loop3A_103 = arith.mulf %parallel_loop3A_101, %parallel_loop3A_82 : vector<16xf32>
        %parallel_loop3A_104 = arith.index_cast %parallel_loop3A_80 : i32 to index
        %parallel_loop3A_105 = arith.constant 32 : index
        %parallel_loop3A_106 = tpu.vector_load %arg13[%parallel_loop3A_104, %parallel_loop3A_105] {strides = array<i32>} : memref<128x128xf32, #tpu.memory_space<vmem>>, vector<16xf32>,
        tpu.vector_store %arg13[%parallel_loop3A_104, %parallel_loop3A_105], %parallel_loop3A_103 {strides = array<i32>} : memref<128x128xf32, #tpu.memory_space<vmem>>, vector<16xf32>,
        %parallel_loop3A_107 = arith.mulf %parallel_loop3A_102, %parallel_loop3A_82 : vector<16xf32>
        %parallel_loop3A_108 = arith.index_cast %parallel_loop3A_80 : i32 to index
        %parallel_loop3A_109 = arith.constant 48 : index
        %parallel_loop3A_110 = tpu.vector_load %arg13[%parallel_loop3A_108, %parallel_loop3A_109] {strides = array<i32>} : memref<128x128xf32, #tpu.memory_space<vmem>>, vector<16xf32>,
        tpu.vector_store %arg13[%parallel_loop3A_108, %parallel_loop3A_109], %parallel_loop3A_107 {strides = array<i32>} : memref<128x128xf32, #tpu.memory_space<vmem>>, vector<16xf32>,
        %parallel_loop3A_111 = arith.index_cast %parallel_loop3A_80 : i32 to index
        %parallel_loop3A_112 = arith.constant 32 : index
        %parallel_loop3A_113 = tpu.vector_load %arg11[%parallel_loop3A_111, %parallel_loop3A_112] {strides = array<i32>} : memref<128x64xi32, #tpu.memory_space<vmem>>, vector<16xi32>,
        %parallel_loop3A_114 = vector.bitcast %parallel_loop3A_113 : vector<16xi32> to vector<32xbf16>
        %parallel_loop3A_115 = tpu.unpack_subelements %parallel_loop3A_114, 0 {pack_format = #tpu.pack_format<interleaved>} : vector<32xbf16> -> vector<16xf32>
        %parallel_loop3A_116 = tpu.unpack_subelements %parallel_loop3A_114, 1 {pack_format = #tpu.pack_format<interleaved>} : vector<32xbf16> -> vector<16xf32>
        %parallel_loop3A_117 = arith.mulf %parallel_loop3A_115, %parallel_loop3A_82 : vector<16xf32>
        %parallel_loop3A_118 = arith.index_cast %parallel_loop3A_80 : i32 to index
        %parallel_loop3A_119 = arith.constant 64 : index
        %parallel_loop3A_120 = tpu.vector_load %arg13[%parallel_loop3A_118, %parallel_loop3A_119] {strides = array<i32>} : memref<128x128xf32, #tpu.memory_space<vmem>>, vector<16xf32>,
        tpu.vector_store %arg13[%parallel_loop3A_118, %parallel_loop3A_119], %parallel_loop3A_117 {strides = array<i32>} : memref<128x128xf32, #tpu.memory_space<vmem>>, vector<16xf32>,
        %parallel_loop3A_121 = arith.mulf %parallel_loop3A_116, %parallel_loop3A_82 : vector<16xf32>
        %parallel_loop3A_122 = arith.index_cast %parallel_loop3A_80 : i32 to index
        %parallel_loop3A_123 = arith.constant 80 : index
        %parallel_loop3A_124 = tpu.vector_load %arg13[%parallel_loop3A_122, %parallel_loop3A_123] {strides = array<i32>} : memref<128x128xf32, #tpu.memory_space<vmem>>, vector<16xf32>,
        tpu.vector_store %arg13[%parallel_loop3A_122, %parallel_loop3A_123], %parallel_loop3A_121 {strides = array<i32>} : memref<128x128xf32, #tpu.memory_space<vmem>>, vector<16xf32>,
        %parallel_loop3A_125 = arith.index_cast %parallel_loop3A_80 : i32 to index
        %parallel_loop3A_126 = arith.constant 48 : index
        %parallel_loop3A_127 = tpu.vector_load %arg11[%parallel_loop3A_125, %parallel_loop3A_126] {strides = array<i32>} : memref<128x64xi32, #tpu.memory_space<vmem>>, vector<16xi32>,
        %parallel_loop3A_128 = vector.bitcast %parallel_loop3A_127 : vector<16xi32> to vector<32xbf16>
        %parallel_loop3A_129 = tpu.unpack_subelements %parallel_loop3A_128, 0 {pack_format = #tpu.pack_format<interleaved>} : vector<32xbf16> -> vector<16xf32>
        %parallel_loop3A_130 = tpu.unpack_subelements %parallel_loop3A_128, 1 {pack_format = #tpu.pack_format<interleaved>} : vector<32xbf16> -> vector<16xf32>
        %parallel_loop3A_131 = arith.mulf %parallel_loop3A_129, %parallel_loop3A_82 : vector<16xf32>
        %parallel_loop3A_132 = arith.index_cast %parallel_loop3A_80 : i32 to index
        %parallel_loop3A_133 = arith.constant 96 : index
        %parallel_loop3A_134 = tpu.vector_load %arg13[%parallel_loop3A_132, %parallel_loop3A_133] {strides = array<i32>} : memref<128x128xf32, #tpu.memory_space<vmem>>, vector<16xf32>,
        tpu.vector_store %arg13[%parallel_loop3A_132, %parallel_loop3A_133], %parallel_loop3A_131 {strides = array<i32>} : memref<128x128xf32, #tpu.memory_space<vmem>>, vector<16xf32>,
        %parallel_loop3A_135 = arith.mulf %parallel_loop3A_130, %parallel_loop3A_82 : vector<16xf32>
        %parallel_loop3A_136 = arith.index_cast %parallel_loop3A_80 : i32 to index
        %parallel_loop3A_137 = arith.constant 112 : index
        %parallel_loop3A_138 = tpu.vector_load %arg13[%parallel_loop3A_136, %parallel_loop3A_137] {strides = array<i32>} : memref<128x128xf32, #tpu.memory_space<vmem>>, vector<16xf32>,
        tpu.vector_store %arg13[%parallel_loop3A_136, %parallel_loop3A_137], %parallel_loop3A_135 {strides = array<i32>} : memref<128x128xf32, #tpu.memory_space<vmem>>, vector<16xf32>,
      } {sc.loop_unroll_factor = 4 : i64, sc.parallel_access}
      %run_scoped3A = arith.constant 1 : i32
      "tpu.region"() ({
        %run_scoped3A_80 = tpu.sem_alloc : memref<!tpu.dma_semaphore, #tpu.memory_space<semaphore_mem>>
        %dma_start3A_81 = arith.constant 0 : i32
        %dma_start3A_82 = tpu.memref_slice %arg7[%run_scoped3A, %dma_start3A_81] : memref<2x128xi32, #tpu.memory_space<vmem>> -> memref<1x128xi32, #tpu.memory_space<vmem>>
        %dma_start3A_83 = tpu.memref_squeeze %dma_start3A_82 : memref<1x128xi32, #tpu.memory_space<vmem>> -> memref<128xi32, #tpu.memory_space<vmem>>
        %dma_start3A_84 = arith.constant 0 : i32
        %dma_start3A_85 = arith.constant 0 : i32
        %dma_start3A_86 = tpu.memref_slice %arg14[%dma_start3A_84, %dma_start3A_85] : memref<10112x128xf32, #tpu.memory_space<vmem_shared>> -> memref<10112x128xf32, #tpu.memory_space<vmem_shared>>
        tpu.enqueue_indirect_dma source(%arg13 : memref<128x128xf32, #tpu.memory_space<vmem>>) target(%dma_start3A_86 : memref<10112x128xf32, #tpu.memory_space<vmem_shared>>) offsets(%dma_start3A_83 : memref<128xi32, #tpu.memory_space<vmem>>) semaphore(%run_scoped3A_80 : memref<!tpu.dma_semaphore, #tpu.memory_space<semaphore_mem>>) {add = true}
        %dma_wait3A_87 = arith.constant 0 : i32
        %dma_wait3A_88 = tpu.memref_slice %arg7[%run_scoped3A, %dma_wait3A_87] : memref<2x128xi32, #tpu.memory_space<vmem>> -> memref<1x128xi32, #tpu.memory_space<vmem>>
        %dma_wait3A_89 = tpu.memref_squeeze %dma_wait3A_88 : memref<1x128xi32, #tpu.memory_space<vmem>> -> memref<128xi32, #tpu.memory_space<vmem>>
        %dma_wait3A_90 = arith.constant 0 : i32
        %dma_wait3A_91 = arith.constant 0 : i32
        %dma_wait3A_92 = tpu.memref_slice %arg14[%dma_wait3A_90, %dma_wait3A_91] : memref<10112x128xf32, #tpu.memory_space<vmem_shared>> -> memref<10112x128xf32, #tpu.memory_space<vmem_shared>>
        tpu.wait_indirect_dma semaphore(%run_scoped3A_80 : memref<!tpu.dma_semaphore, #tpu.memory_space<semaphore_mem>>) src(%arg13 : memref<128x128xf32, #tpu.memory_space<vmem>>) dst(%dma_wait3A_92 : memref<10112x128xf32, #tpu.memory_space<vmem_shared>>)
        tpu.yield
      }) : () -> ()
      %add3A_54 = arith.constant 2 : i32
      %add3A_55 = arith.addi %add3A_45, %add3A_54 : i32
      %lt3A = arith.constant 80 : i32
      %lt3A_56 = arith.cmpi slt, %add3A_55, %lt3A : i32
      %convert_element_type3A = arith.extui %lt3A_56 : i1 to i32
      %cond3A = arith.constant 0 : i32
      %cond3A_57 = arith.cmpi ne, %convert_element_type3A, %cond3A : i32
      scf.if %cond3A_57 {
        %add3A_80 = arith.constant 2 : i32
        %add3A_81 = arith.addi %add3A_45, %add3A_80 : i32
        %add3A_82 = arith.addi %mul3A_2, %add3A_81 : i32
        "tpu.region"() ({
          %run_scoped3A_91 = tpu.sem_alloc : memref<!tpu.dma_semaphore, #tpu.memory_space<semaphore_mem>>
          %dma_start3A_92 = arith.constant 0 : i32
          %dma_start3A_93 = arith.constant 0 : i32
          %dma_start3A_94 = tpu.memref_slice %arg3[%add3A_82, %dma_start3A_92, %dma_start3A_93] : memref<2560x2x128xi32, #tpu.memory_space<hbm>> -> memref<1x2x128xi32, #tpu.memory_space<hbm>>
          %dma_start3A_95 = tpu.memref_squeeze %dma_start3A_94 : memref<1x2x128xi32, #tpu.memory_space<hbm>> -> memref<2x128xi32, #tpu.memory_space<hbm>>
          %dma_start3A_96 = arith.constant 0 : i32
          %dma_start3A_97 = arith.constant 0 : i32
          %dma_start3A_98 = tpu.memref_slice %arg3[%add3A_82, %dma_start3A_96, %dma_start3A_97] : memref<2560x2x128xi32, #tpu.memory_space<hbm>> -> memref<1x2x128xi32, #tpu.memory_space<hbm>>
          %dma_start3A_99 = tpu.memref_squeeze %dma_start3A_98 : memref<1x2x128xi32, #tpu.memory_space<hbm>> -> memref<2x128xi32, #tpu.memory_space<hbm>>
          tpu.enqueue_dma source(%dma_start3A_99 : memref<2x128xi32, #tpu.memory_space<hbm>>) target(%arg7 : memref<2x128xi32, #tpu.memory_space<vmem>>) target_semaphore(%run_scoped3A_91 : memref<!tpu.dma_semaphore, #tpu.memory_space<semaphore_mem>>)
          %dma_wait3A_100 = arith.constant 0 : i32
          %dma_wait3A_101 = arith.constant 0 : i32
          %dma_wait3A_102 = tpu.memref_slice %arg3[%add3A_82, %dma_wait3A_100, %dma_wait3A_101] : memref<2560x2x128xi32, #tpu.memory_space<hbm>> -> memref<1x2x128xi32, #tpu.memory_space<hbm>>
          %dma_wait3A_103 = tpu.memref_squeeze %dma_wait3A_102 : memref<1x2x128xi32, #tpu.memory_space<hbm>> -> memref<2x128xi32, #tpu.memory_space<hbm>>
          %dma_wait3A_104 = arith.constant 0 : i32
          %dma_wait3A_105 = arith.constant 0 : i32
          %dma_wait3A_106 = tpu.memref_slice %arg3[%add3A_82, %dma_wait3A_104, %dma_wait3A_105] : memref<2560x2x128xi32, #tpu.memory_space<hbm>> -> memref<1x2x128xi32, #tpu.memory_space<hbm>>
          %dma_wait3A_107 = tpu.memref_squeeze %dma_wait3A_106 : memref<1x2x128xi32, #tpu.memory_space<hbm>> -> memref<2x128xi32, #tpu.memory_space<hbm>>
          tpu.wait_dma2 semaphore(%run_scoped3A_91 : memref<!tpu.dma_semaphore, #tpu.memory_space<semaphore_mem>>) src(%dma_wait3A_107 : memref<2x128xi32, #tpu.memory_space<hbm>>) dst(%arg7 : memref<2x128xi32, #tpu.memory_space<vmem>>)
          tpu.yield
        }) : () -> ()
        %add3A_83 = arith.addi %mul3A_2, %add3A_81 : i32
        "tpu.region"() ({
          %run_scoped3A_91 = tpu.sem_alloc : memref<!tpu.dma_semaphore, #tpu.memory_space<semaphore_mem>>
          %dma_start3A_92 = arith.constant 0 : i32
          %dma_start3A_93 = tpu.memref_slice %arg4[%add3A_83, %dma_start3A_92] : memref<2560x128xf32, #tpu.memory_space<hbm>> -> memref<1x128xf32, #tpu.memory_space<hbm>>
          %dma_start3A_94 = tpu.memref_squeeze %dma_start3A_93 : memref<1x128xf32, #tpu.memory_space<hbm>> -> memref<128xf32, #tpu.memory_space<hbm>>
          %dma_start3A_95 = arith.constant 0 : i32
          %dma_start3A_96 = tpu.memref_slice %arg4[%add3A_83, %dma_start3A_95] : memref<2560x128xf32, #tpu.memory_space<hbm>> -> memref<1x128xf32, #tpu.memory_space<hbm>>
          %dma_start3A_97 = tpu.memref_squeeze %dma_start3A_96 : memref<1x128xf32, #tpu.memory_space<hbm>> -> memref<128xf32, #tpu.memory_space<hbm>>
          tpu.enqueue_dma source(%dma_start3A_97 : memref<128xf32, #tpu.memory_space<hbm>>) target(%arg9 : memref<128xf32, #tpu.memory_space<vmem>>) target_semaphore(%run_scoped3A_91 : memref<!tpu.dma_semaphore, #tpu.memory_space<semaphore_mem>>)
          %dma_wait3A_98 = arith.constant 0 : i32
          %dma_wait3A_99 = tpu.memref_slice %arg4[%add3A_83, %dma_wait3A_98] : memref<2560x128xf32, #tpu.memory_space<hbm>> -> memref<1x128xf32, #tpu.memory_space<hbm>>
          %dma_wait3A_100 = tpu.memref_squeeze %dma_wait3A_99 : memref<1x128xf32, #tpu.memory_space<hbm>> -> memref<128xf32, #tpu.memory_space<hbm>>
          %dma_wait3A_101 = arith.constant 0 : i32
          %dma_wait3A_102 = tpu.memref_slice %arg4[%add3A_83, %dma_wait3A_101] : memref<2560x128xf32, #tpu.memory_space<hbm>> -> memref<1x128xf32, #tpu.memory_space<hbm>>
          %dma_wait3A_103 = tpu.memref_squeeze %dma_wait3A_102 : memref<1x128xf32, #tpu.memory_space<hbm>> -> memref<128xf32, #tpu.memory_space<hbm>>
          tpu.wait_dma2 semaphore(%run_scoped3A_91 : memref<!tpu.dma_semaphore, #tpu.memory_space<semaphore_mem>>) src(%dma_wait3A_103 : memref<128xf32, #tpu.memory_space<hbm>>) dst(%arg9 : memref<128xf32, #tpu.memory_space<vmem>>)
          tpu.yield
        }) : () -> ()
        %dma_start3A_84 = arith.constant 0 : i32
        %dma_start3A_85 = arith.constant 0 : i32
        %dma_start3A_86 = tpu.memref_slice %arg7[%dma_start3A_84, %dma_start3A_85] : memref<2x128xi32, #tpu.memory_space<vmem>> -> memref<1x128xi32, #tpu.memory_space<vmem>>
        %dma_start3A_87 = tpu.memref_squeeze %dma_start3A_86 : memref<1x128xi32, #tpu.memory_space<vmem>> -> memref<128xi32, #tpu.memory_space<vmem>>
        %dma_start3A_88 = arith.constant 0 : i32
        %dma_start3A_89 = arith.constant 0 : i32
        %dma_start3A_90 = tpu.memref_slice %arg2[%dma_start3A_88, %dma_start3A_89] : memref<160000x64xi32, #tpu.memory_space<hbm>> -> memref<160000x64xi32, #tpu.memory_space<hbm>>
        tpu.enqueue_indirect_dma source(%dma_start3A_90 : memref<160000x64xi32, #tpu.memory_space<hbm>>) target(%arg11 : memref<128x64xi32, #tpu.memory_space<vmem>>) offsets(%dma_start3A_87 : memref<128xi32, #tpu.memory_space<vmem>>) semaphore(%arg15 : memref<!tpu.dma_semaphore, #tpu.memory_space<semaphore_mem>>)
      } else {
      }
      %mul3A_58 = arith.constant 2 : i32
      %mul3A_59 = arith.muli %add3A_41, %mul3A_58 : i32
      %add3A_60 = arith.constant 1 : i32
      %add3A_61 = arith.addi %mul3A_59, %add3A_60 : i32
      %dma_wait3A_62 = arith.constant 0 : i32
      %dma_wait3A_63 = arith.constant 0 : i32
      %dma_wait3A_64 = tpu.memref_slice %arg8[%dma_wait3A_62, %dma_wait3A_63] : memref<2x128xi32, #tpu.memory_space<vmem>> -> memref<1x128xi32, #tpu.memory_space<vmem>>
      %dma_wait3A_65 = tpu.memref_squeeze %dma_wait3A_64 : memref<1x128xi32, #tpu.memory_space<vmem>> -> memref<128xi32, #tpu.memory_space<vmem>>
      %dma_wait3A_66 = arith.constant 0 : i32
      %dma_wait3A_67 = arith.constant 0 : i32
      %dma_wait3A_68 = tpu.memref_slice %arg2[%dma_wait3A_66, %dma_wait3A_67] : memref<160000x64xi32, #tpu.memory_space<hbm>> -> memref<160000x64xi32, #tpu.memory_space<hbm>>
      tpu.wait_indirect_dma semaphore(%arg16 : memref<!tpu.dma_semaphore, #tpu.memory_space<semaphore_mem>>) src(%dma_wait3A_68 : memref<160000x64xi32, #tpu.memory_space<hbm>>) dst(%arg12 : memref<128x64xi32, #tpu.memory_space<vmem>>)
      %parallel_loop3A_69 = arith.constant 0 : i32
      %parallel_loop3A_70 = arith.constant 128 : i32
      %parallel_loop3A_71 = arith.constant 1 : i32
      scf.for %parallel_loop3A_80 = %parallel_loop3A_69 to %parallel_loop3A_70 step %parallel_loop3A_71  : i32 {
        %parallel_loop3A_81 = vector.broadcast %parallel_loop3A_80 : i32 to vector<16xi32>
        %parallel_loop3A_82 = tpu.vector_load_idx %arg10[%parallel_loop3A_81] : memref<128xf32, #tpu.memory_space<vmem>>[vector<16xi32>], vector<16xf32>,
        %parallel_loop3A_83 = arith.index_cast %parallel_loop3A_80 : i32 to index
        %parallel_loop3A_84 = arith.constant 0 : index
        %parallel_loop3A_85 = tpu.vector_load %arg12[%parallel_loop3A_83, %parallel_loop3A_84] {strides = array<i32>} : memref<128x64xi32, #tpu.memory_space<vmem>>, vector<16xi32>,
        %parallel_loop3A_86 = vector.bitcast %parallel_loop3A_85 : vector<16xi32> to vector<32xbf16>
        %parallel_loop3A_87 = tpu.unpack_subelements %parallel_loop3A_86, 0 {pack_format = #tpu.pack_format<interleaved>} : vector<32xbf16> -> vector<16xf32>
        %parallel_loop3A_88 = tpu.unpack_subelements %parallel_loop3A_86, 1 {pack_format = #tpu.pack_format<interleaved>} : vector<32xbf16> -> vector<16xf32>
        %parallel_loop3A_89 = arith.mulf %parallel_loop3A_87, %parallel_loop3A_82 : vector<16xf32>
        %parallel_loop3A_90 = arith.index_cast %parallel_loop3A_80 : i32 to index
        %parallel_loop3A_91 = arith.constant 0 : index
        %parallel_loop3A_92 = tpu.vector_load %arg13[%parallel_loop3A_90, %parallel_loop3A_91] {strides = array<i32>} : memref<128x128xf32, #tpu.memory_space<vmem>>, vector<16xf32>,
        tpu.vector_store %arg13[%parallel_loop3A_90, %parallel_loop3A_91], %parallel_loop3A_89 {strides = array<i32>} : memref<128x128xf32, #tpu.memory_space<vmem>>, vector<16xf32>,
        %parallel_loop3A_93 = arith.mulf %parallel_loop3A_88, %parallel_loop3A_82 : vector<16xf32>
        %parallel_loop3A_94 = arith.index_cast %parallel_loop3A_80 : i32 to index
        %parallel_loop3A_95 = arith.constant 16 : index
        %parallel_loop3A_96 = tpu.vector_load %arg13[%parallel_loop3A_94, %parallel_loop3A_95] {strides = array<i32>} : memref<128x128xf32, #tpu.memory_space<vmem>>, vector<16xf32>,
        tpu.vector_store %arg13[%parallel_loop3A_94, %parallel_loop3A_95], %parallel_loop3A_93 {strides = array<i32>} : memref<128x128xf32, #tpu.memory_space<vmem>>, vector<16xf32>,
        %parallel_loop3A_97 = arith.index_cast %parallel_loop3A_80 : i32 to index
        %parallel_loop3A_98 = arith.constant 16 : index
        %parallel_loop3A_99 = tpu.vector_load %arg12[%parallel_loop3A_97, %parallel_loop3A_98] {strides = array<i32>} : memref<128x64xi32, #tpu.memory_space<vmem>>, vector<16xi32>,
        %parallel_loop3A_100 = vector.bitcast %parallel_loop3A_99 : vector<16xi32> to vector<32xbf16>
        %parallel_loop3A_101 = tpu.unpack_subelements %parallel_loop3A_100, 0 {pack_format = #tpu.pack_format<interleaved>} : vector<32xbf16> -> vector<16xf32>
        %parallel_loop3A_102 = tpu.unpack_subelements %parallel_loop3A_100, 1 {pack_format = #tpu.pack_format<interleaved>} : vector<32xbf16> -> vector<16xf32>
        %parallel_loop3A_103 = arith.mulf %parallel_loop3A_101, %parallel_loop3A_82 : vector<16xf32>
        %parallel_loop3A_104 = arith.index_cast %parallel_loop3A_80 : i32 to index
        %parallel_loop3A_105 = arith.constant 32 : index
        %parallel_loop3A_106 = tpu.vector_load %arg13[%parallel_loop3A_104, %parallel_loop3A_105] {strides = array<i32>} : memref<128x128xf32, #tpu.memory_space<vmem>>, vector<16xf32>,
        tpu.vector_store %arg13[%parallel_loop3A_104, %parallel_loop3A_105], %parallel_loop3A_103 {strides = array<i32>} : memref<128x128xf32, #tpu.memory_space<vmem>>, vector<16xf32>,
        %parallel_loop3A_107 = arith.mulf %parallel_loop3A_102, %parallel_loop3A_82 : vector<16xf32>
        %parallel_loop3A_108 = arith.index_cast %parallel_loop3A_80 : i32 to index
        %parallel_loop3A_109 = arith.constant 48 : index
        %parallel_loop3A_110 = tpu.vector_load %arg13[%parallel_loop3A_108, %parallel_loop3A_109] {strides = array<i32>} : memref<128x128xf32, #tpu.memory_space<vmem>>, vector<16xf32>,
        tpu.vector_store %arg13[%parallel_loop3A_108, %parallel_loop3A_109], %parallel_loop3A_107 {strides = array<i32>} : memref<128x128xf32, #tpu.memory_space<vmem>>, vector<16xf32>,
        %parallel_loop3A_111 = arith.index_cast %parallel_loop3A_80 : i32 to index
        %parallel_loop3A_112 = arith.constant 32 : index
        %parallel_loop3A_113 = tpu.vector_load %arg12[%parallel_loop3A_111, %parallel_loop3A_112] {strides = array<i32>} : memref<128x64xi32, #tpu.memory_space<vmem>>, vector<16xi32>,
        %parallel_loop3A_114 = vector.bitcast %parallel_loop3A_113 : vector<16xi32> to vector<32xbf16>
        %parallel_loop3A_115 = tpu.unpack_subelements %parallel_loop3A_114, 0 {pack_format = #tpu.pack_format<interleaved>} : vector<32xbf16> -> vector<16xf32>
        %parallel_loop3A_116 = tpu.unpack_subelements %parallel_loop3A_114, 1 {pack_format = #tpu.pack_format<interleaved>} : vector<32xbf16> -> vector<16xf32>
        %parallel_loop3A_117 = arith.mulf %parallel_loop3A_115, %parallel_loop3A_82 : vector<16xf32>
        %parallel_loop3A_118 = arith.index_cast %parallel_loop3A_80 : i32 to index
        %parallel_loop3A_119 = arith.constant 64 : index
        %parallel_loop3A_120 = tpu.vector_load %arg13[%parallel_loop3A_118, %parallel_loop3A_119] {strides = array<i32>} : memref<128x128xf32, #tpu.memory_space<vmem>>, vector<16xf32>,
        tpu.vector_store %arg13[%parallel_loop3A_118, %parallel_loop3A_119], %parallel_loop3A_117 {strides = array<i32>} : memref<128x128xf32, #tpu.memory_space<vmem>>, vector<16xf32>,
        %parallel_loop3A_121 = arith.mulf %parallel_loop3A_116, %parallel_loop3A_82 : vector<16xf32>
        %parallel_loop3A_122 = arith.index_cast %parallel_loop3A_80 : i32 to index
        %parallel_loop3A_123 = arith.constant 80 : index
        %parallel_loop3A_124 = tpu.vector_load %arg13[%parallel_loop3A_122, %parallel_loop3A_123] {strides = array<i32>} : memref<128x128xf32, #tpu.memory_space<vmem>>, vector<16xf32>,
        tpu.vector_store %arg13[%parallel_loop3A_122, %parallel_loop3A_123], %parallel_loop3A_121 {strides = array<i32>} : memref<128x128xf32, #tpu.memory_space<vmem>>, vector<16xf32>,
        %parallel_loop3A_125 = arith.index_cast %parallel_loop3A_80 : i32 to index
        %parallel_loop3A_126 = arith.constant 48 : index
        %parallel_loop3A_127 = tpu.vector_load %arg12[%parallel_loop3A_125, %parallel_loop3A_126] {strides = array<i32>} : memref<128x64xi32, #tpu.memory_space<vmem>>, vector<16xi32>,
        %parallel_loop3A_128 = vector.bitcast %parallel_loop3A_127 : vector<16xi32> to vector<32xbf16>
        %parallel_loop3A_129 = tpu.unpack_subelements %parallel_loop3A_128, 0 {pack_format = #tpu.pack_format<interleaved>} : vector<32xbf16> -> vector<16xf32>
        %parallel_loop3A_130 = tpu.unpack_subelements %parallel_loop3A_128, 1 {pack_format = #tpu.pack_format<interleaved>} : vector<32xbf16> -> vector<16xf32>
        %parallel_loop3A_131 = arith.mulf %parallel_loop3A_129, %parallel_loop3A_82 : vector<16xf32>
        %parallel_loop3A_132 = arith.index_cast %parallel_loop3A_80 : i32 to index
        %parallel_loop3A_133 = arith.constant 96 : index
        %parallel_loop3A_134 = tpu.vector_load %arg13[%parallel_loop3A_132, %parallel_loop3A_133] {strides = array<i32>} : memref<128x128xf32, #tpu.memory_space<vmem>>, vector<16xf32>,
        tpu.vector_store %arg13[%parallel_loop3A_132, %parallel_loop3A_133], %parallel_loop3A_131 {strides = array<i32>} : memref<128x128xf32, #tpu.memory_space<vmem>>, vector<16xf32>,
        %parallel_loop3A_135 = arith.mulf %parallel_loop3A_130, %parallel_loop3A_82 : vector<16xf32>
        %parallel_loop3A_136 = arith.index_cast %parallel_loop3A_80 : i32 to index
        %parallel_loop3A_137 = arith.constant 112 : index
        %parallel_loop3A_138 = tpu.vector_load %arg13[%parallel_loop3A_136, %parallel_loop3A_137] {strides = array<i32>} : memref<128x128xf32, #tpu.memory_space<vmem>>, vector<16xf32>,
        tpu.vector_store %arg13[%parallel_loop3A_136, %parallel_loop3A_137], %parallel_loop3A_135 {strides = array<i32>} : memref<128x128xf32, #tpu.memory_space<vmem>>, vector<16xf32>,
      } {sc.loop_unroll_factor = 4 : i64, sc.parallel_access}
      %run_scoped3A_72 = arith.constant 1 : i32
      "tpu.region"() ({
        %run_scoped3A_80 = tpu.sem_alloc : memref<!tpu.dma_semaphore, #tpu.memory_space<semaphore_mem>>
        %dma_start3A_81 = arith.constant 0 : i32
        %dma_start3A_82 = tpu.memref_slice %arg8[%run_scoped3A_72, %dma_start3A_81] : memref<2x128xi32, #tpu.memory_space<vmem>> -> memref<1x128xi32, #tpu.memory_space<vmem>>
        %dma_start3A_83 = tpu.memref_squeeze %dma_start3A_82 : memref<1x128xi32, #tpu.memory_space<vmem>> -> memref<128xi32, #tpu.memory_space<vmem>>
        %dma_start3A_84 = arith.constant 0 : i32
        %dma_start3A_85 = arith.constant 0 : i32
        %dma_start3A_86 = tpu.memref_slice %arg14[%dma_start3A_84, %dma_start3A_85] : memref<10112x128xf32, #tpu.memory_space<vmem_shared>> -> memref<10112x128xf32, #tpu.memory_space<vmem_shared>>
        tpu.enqueue_indirect_dma source(%arg13 : memref<128x128xf32, #tpu.memory_space<vmem>>) target(%dma_start3A_86 : memref<10112x128xf32, #tpu.memory_space<vmem_shared>>) offsets(%dma_start3A_83 : memref<128xi32, #tpu.memory_space<vmem>>) semaphore(%run_scoped3A_80 : memref<!tpu.dma_semaphore, #tpu.memory_space<semaphore_mem>>) {add = true}
        %dma_wait3A_87 = arith.constant 0 : i32
        %dma_wait3A_88 = tpu.memref_slice %arg8[%run_scoped3A_72, %dma_wait3A_87] : memref<2x128xi32, #tpu.memory_space<vmem>> -> memref<1x128xi32, #tpu.memory_space<vmem>>
        %dma_wait3A_89 = tpu.memref_squeeze %dma_wait3A_88 : memref<1x128xi32, #tpu.memory_space<vmem>> -> memref<128xi32, #tpu.memory_space<vmem>>
        %dma_wait3A_90 = arith.constant 0 : i32
        %dma_wait3A_91 = arith.constant 0 : i32
        %dma_wait3A_92 = tpu.memref_slice %arg14[%dma_wait3A_90, %dma_wait3A_91] : memref<10112x128xf32, #tpu.memory_space<vmem_shared>> -> memref<10112x128xf32, #tpu.memory_space<vmem_shared>>
        tpu.wait_indirect_dma semaphore(%run_scoped3A_80 : memref<!tpu.dma_semaphore, #tpu.memory_space<semaphore_mem>>) src(%arg13 : memref<128x128xf32, #tpu.memory_space<vmem>>) dst(%dma_wait3A_92 : memref<10112x128xf32, #tpu.memory_space<vmem_shared>>)
        tpu.yield
      }) : () -> ()
      %add3A_73 = arith.constant 2 : i32
      %add3A_74 = arith.addi %add3A_61, %add3A_73 : i32
      %lt3A_75 = arith.constant 80 : i32
      %lt3A_76 = arith.cmpi slt, %add3A_74, %lt3A_75 : i32
      %convert_element_type3A_77 = arith.extui %lt3A_76 : i1 to i32
      %cond3A_78 = arith.constant 0 : i32
      %cond3A_79 = arith.cmpi ne, %convert_element_type3A_77, %cond3A_78 : i32
      scf.if %cond3A_79 {
        %add3A_80 = arith.constant 2 : i32
        %add3A_81 = arith.addi %add3A_61, %add3A_80 : i32
        %add3A_82 = arith.addi %mul3A_2, %add3A_81 : i32
        "tpu.region"() ({
          %run_scoped3A_91 = tpu.sem_alloc : memref<!tpu.dma_semaphore, #tpu.memory_space<semaphore_mem>>
          %dma_start3A_92 = arith.constant 0 : i32
          %dma_start3A_93 = arith.constant 0 : i32
          %dma_start3A_94 = tpu.memref_slice %arg3[%add3A_82, %dma_start3A_92, %dma_start3A_93] : memref<2560x2x128xi32, #tpu.memory_space<hbm>> -> memref<1x2x128xi32, #tpu.memory_space<hbm>>
          %dma_start3A_95 = tpu.memref_squeeze %dma_start3A_94 : memref<1x2x128xi32, #tpu.memory_space<hbm>> -> memref<2x128xi32, #tpu.memory_space<hbm>>
          %dma_start3A_96 = arith.constant 0 : i32
          %dma_start3A_97 = arith.constant 0 : i32
          %dma_start3A_98 = tpu.memref_slice %arg3[%add3A_82, %dma_start3A_96, %dma_start3A_97] : memref<2560x2x128xi32, #tpu.memory_space<hbm>> -> memref<1x2x128xi32, #tpu.memory_space<hbm>>
          %dma_start3A_99 = tpu.memref_squeeze %dma_start3A_98 : memref<1x2x128xi32, #tpu.memory_space<hbm>> -> memref<2x128xi32, #tpu.memory_space<hbm>>
          tpu.enqueue_dma source(%dma_start3A_99 : memref<2x128xi32, #tpu.memory_space<hbm>>) target(%arg8 : memref<2x128xi32, #tpu.memory_space<vmem>>) target_semaphore(%run_scoped3A_91 : memref<!tpu.dma_semaphore, #tpu.memory_space<semaphore_mem>>)
          %dma_wait3A_100 = arith.constant 0 : i32
          %dma_wait3A_101 = arith.constant 0 : i32
          %dma_wait3A_102 = tpu.memref_slice %arg3[%add3A_82, %dma_wait3A_100, %dma_wait3A_101] : memref<2560x2x128xi32, #tpu.memory_space<hbm>> -> memref<1x2x128xi32, #tpu.memory_space<hbm>>
          %dma_wait3A_103 = tpu.memref_squeeze %dma_wait3A_102 : memref<1x2x128xi32, #tpu.memory_space<hbm>> -> memref<2x128xi32, #tpu.memory_space<hbm>>
          %dma_wait3A_104 = arith.constant 0 : i32
          %dma_wait3A_105 = arith.constant 0 : i32
          %dma_wait3A_106 = tpu.memref_slice %arg3[%add3A_82, %dma_wait3A_104, %dma_wait3A_105] : memref<2560x2x128xi32, #tpu.memory_space<hbm>> -> memref<1x2x128xi32, #tpu.memory_space<hbm>>
          %dma_wait3A_107 = tpu.memref_squeeze %dma_wait3A_106 : memref<1x2x128xi32, #tpu.memory_space<hbm>> -> memref<2x128xi32, #tpu.memory_space<hbm>>
          tpu.wait_dma2 semaphore(%run_scoped3A_91 : memref<!tpu.dma_semaphore, #tpu.memory_space<semaphore_mem>>) src(%dma_wait3A_107 : memref<2x128xi32, #tpu.memory_space<hbm>>) dst(%arg8 : memref<2x128xi32, #tpu.memory_space<vmem>>)
          tpu.yield
        }) : () -> ()
        %add3A_83 = arith.addi %mul3A_2, %add3A_81 : i32
        "tpu.region"() ({
          %run_scoped3A_91 = tpu.sem_alloc : memref<!tpu.dma_semaphore, #tpu.memory_space<semaphore_mem>>
          %dma_start3A_92 = arith.constant 0 : i32
          %dma_start3A_93 = tpu.memref_slice %arg4[%add3A_83, %dma_start3A_92] : memref<2560x128xf32, #tpu.memory_space<hbm>> -> memref<1x128xf32, #tpu.memory_space<hbm>>
          %dma_start3A_94 = tpu.memref_squeeze %dma_start3A_93 : memref<1x128xf32, #tpu.memory_space<hbm>> -> memref<128xf32, #tpu.memory_space<hbm>>
          %dma_start3A_95 = arith.constant 0 : i32
          %dma_start3A_96 = tpu.memref_slice %arg4[%add3A_83, %dma_start3A_95] : memref<2560x128xf32, #tpu.memory_space<hbm>> -> memref<1x128xf32, #tpu.memory_space<hbm>>
          %dma_start3A_97 = tpu.memref_squeeze %dma_start3A_96 : memref<1x128xf32, #tpu.memory_space<hbm>> -> memref<128xf32, #tpu.memory_space<hbm>>
          tpu.enqueue_dma source(%dma_start3A_97 : memref<128xf32, #tpu.memory_space<hbm>>) target(%arg10 : memref<128xf32, #tpu.memory_space<vmem>>) target_semaphore(%run_scoped3A_91 : memref<!tpu.dma_semaphore, #tpu.memory_space<semaphore_mem>>)
          %dma_wait3A_98 = arith.constant 0 : i32
          %dma_wait3A_99 = tpu.memref_slice %arg4[%add3A_83, %dma_wait3A_98] : memref<2560x128xf32, #tpu.memory_space<hbm>> -> memref<1x128xf32, #tpu.memory_space<hbm>>
          %dma_wait3A_100 = tpu.memref_squeeze %dma_wait3A_99 : memref<1x128xf32, #tpu.memory_space<hbm>> -> memref<128xf32, #tpu.memory_space<hbm>>
          %dma_wait3A_101 = arith.constant 0 : i32
          %dma_wait3A_102 = tpu.memref_slice %arg4[%add3A_83, %dma_wait3A_101] : memref<2560x128xf32, #tpu.memory_space<hbm>> -> memref<1x128xf32, #tpu.memory_space<hbm>>
          %dma_wait3A_103 = tpu.memref_squeeze %dma_wait3A_102 : memref<1x128xf32, #tpu.memory_space<hbm>> -> memref<128xf32, #tpu.memory_space<hbm>>
          tpu.wait_dma2 semaphore(%run_scoped3A_91 : memref<!tpu.dma_semaphore, #tpu.memory_space<semaphore_mem>>) src(%dma_wait3A_103 : memref<128xf32, #tpu.memory_space<hbm>>) dst(%arg10 : memref<128xf32, #tpu.memory_space<vmem>>)
          tpu.yield
        }) : () -> ()
        %dma_start3A_84 = arith.constant 0 : i32
        %dma_start3A_85 = arith.constant 0 : i32
        %dma_start3A_86 = tpu.memref_slice %arg8[%dma_start3A_84, %dma_start3A_85] : memref<2x128xi32, #tpu.memory_space<vmem>> -> memref<1x128xi32, #tpu.memory_space<vmem>>
        %dma_start3A_87 = tpu.memref_squeeze %dma_start3A_86 : memref<1x128xi32, #tpu.memory_space<vmem>> -> memref<128xi32, #tpu.memory_space<vmem>>
        %dma_start3A_88 = arith.constant 0 : i32
        %dma_start3A_89 = arith.constant 0 : i32
        %dma_start3A_90 = tpu.memref_slice %arg2[%dma_start3A_88, %dma_start3A_89] : memref<160000x64xi32, #tpu.memory_space<hbm>> -> memref<160000x64xi32, #tpu.memory_space<hbm>>
        tpu.enqueue_indirect_dma source(%dma_start3A_90 : memref<160000x64xi32, #tpu.memory_space<hbm>>) target(%arg12 : memref<128x64xi32, #tpu.memory_space<vmem>>) offsets(%dma_start3A_87 : memref<128xi32, #tpu.memory_space<vmem>>) semaphore(%arg16 : memref<!tpu.dma_semaphore, #tpu.memory_space<semaphore_mem>>)
      } else {
      }
    }
    %scan3A_31 = arith.constant 40 : i32
    %barrier3A_32 = arith.constant 0 : index
    tpu.barrier barrier_id(%barrier3A_32)
    %mul3A_33 = arith.constant 632 : i32
    %mul3A_34 = arith.muli %arg1, %mul3A_33 : i32
    %mul3A_35 = arith.constant 632 : i32
    %mul3A_36 = arith.muli %arg1, %mul3A_35 : i32
    "tpu.region"() ({
      %run_scoped3A = tpu.sem_alloc : memref<!tpu.dma_semaphore, #tpu.memory_space<semaphore_mem>>
      %dma_start3A_37 = arith.constant 0 : i32
      %dma_start3A_38 = tpu.memref_slice %arg6[%arg0, %mul3A_36, %dma_start3A_37] : memref<2x10112x128xf32, #tpu.memory_space<hbm>> -> memref<1x632x128xf32, #tpu.memory_space<hbm>>
      %dma_start3A_39 = tpu.memref_squeeze %dma_start3A_38 : memref<1x632x128xf32, #tpu.memory_space<hbm>> -> memref<632x128xf32, #tpu.memory_space<hbm>>
      %dma_start3A_40 = arith.constant 0 : i32
      %dma_start3A_41 = tpu.memref_slice %arg14[%mul3A_34, %dma_start3A_40] : memref<10112x128xf32, #tpu.memory_space<vmem_shared>> -> memref<632x128xf32, #tpu.memory_space<vmem_shared>>
      tpu.enqueue_dma source(%dma_start3A_41 : memref<632x128xf32, #tpu.memory_space<vmem_shared>>) target(%dma_start3A_39 : memref<632x128xf32, #tpu.memory_space<hbm>>) target_semaphore(%run_scoped3A : memref<!tpu.dma_semaphore, #tpu.memory_space<semaphore_mem>>)
      %dma_wait3A = arith.constant 0 : i32
      %dma_wait3A_42 = tpu.memref_slice %arg6[%arg0, %mul3A_36, %dma_wait3A] : memref<2x10112x128xf32, #tpu.memory_space<hbm>> -> memref<1x632x128xf32, #tpu.memory_space<hbm>>
      %dma_wait3A_43 = tpu.memref_squeeze %dma_wait3A_42 : memref<1x632x128xf32, #tpu.memory_space<hbm>> -> memref<632x128xf32, #tpu.memory_space<hbm>>
      %dma_wait3A_44 = arith.constant 0 : i32
      %dma_wait3A_45 = tpu.memref_slice %arg14[%mul3A_34, %dma_wait3A_44] : memref<10112x128xf32, #tpu.memory_space<vmem_shared>> -> memref<632x128xf32, #tpu.memory_space<vmem_shared>>
      tpu.wait_dma2 semaphore(%run_scoped3A : memref<!tpu.dma_semaphore, #tpu.memory_space<semaphore_mem>>) src(%dma_wait3A_45 : memref<632x128xf32, #tpu.memory_space<vmem_shared>>) dst(%dma_wait3A_43 : memref<632x128xf32, #tpu.memory_space<hbm>>)
      tpu.yield
    }) : () -> ()
    return
  }
}

module attributes {stable_mosaic.version = 14 : i64} {
  func.func @body(%arg0: i32, %arg1: memref<10000x128xf32, #tpu.memory_space<vmem>>, %arg2: memref<1x128x64xf32, #tpu.memory_space<vmem>>, %arg3: memref<1x128x64xf32, #tpu.memory_space<vmem>>, %arg4: memref<1x10000x64xi32, #tpu.memory_space<vmem>>) attributes {dimension_semantics = [#tpu.dimension_semantics<arbitrary>], iteration_bounds = array<i64: 16>, scalar_prefetch = 0 : i64, scratch_operands = 0 : i64, tpu.core_type = #tpu.core_type<tc>, window_params = [{pipeline_mode = #tpu.pipeline_mode<synchronous>, transform_indices = @transform_0, window_bounds = array<i64: 10000, 128>}, {transform_indices = @transform_1, window_bounds = array<i64: 1, 128, 64>}, {transform_indices = @transform_2, window_bounds = array<i64: 1, 128, 64>}, {transform_indices = @transform_3, window_bounds = array<i64: 1, 10000, 64>}]} {
    %get3A = arith.constant 0 : index
    %get3A_0 = arith.constant 0 : index
    %get3A_1 = vector.load %arg1[%get3A, %get3A_0] : memref<10000x128xf32, #tpu.memory_space<vmem>>, vector<10000x128xf32>
    %convert_element_type3A = arith.truncf %get3A_1 : vector<10000x128xf32> to vector<10000x128xbf16>
    %get3A_2 = arith.constant 0 : index
    %get3A_3 = arith.constant 0 : index
    %get3A_4 = arith.constant 0 : index
    %get3A_5 = vector.load %arg2[%get3A_2, %get3A_3, %get3A_4] : memref<1x128x64xf32, #tpu.memory_space<vmem>>, vector<1x128x64xf32>
    %get3A_6 = vector.shape_cast %get3A_5 : vector<1x128x64xf32> to vector<128x64xf32>
    %convert_element_type3A_7 = arith.truncf %get3A_6 : vector<128x64xf32> to vector<128x64xbf16>
    %dot_general3A = arith.constant dense<0.000000e+00> : vector<10000x64xf32>
    %dot_general3A_8 = tpu.matmul %convert_element_type3A, %convert_element_type3A_7, %dot_general3A {dimension_numbers = #tpu.dot_dimension_numbers<[1], [0], [0], [1], [0, 0, 1, 1], [], []>, transpose_lhs_hint = false} : vector<10000x128xbf16>, vector<128x64xbf16>, vector<10000x64xf32> -> vector<10000x64xf32>
    %get3A_9 = arith.constant 0 : index
    %get3A_10 = arith.constant 0 : index
    %get3A_11 = arith.constant 0 : index
    %get3A_12 = vector.load %arg3[%get3A_9, %get3A_10, %get3A_11] : memref<1x128x64xf32, #tpu.memory_space<vmem>>, vector<1x128x64xf32>
    %get3A_13 = vector.shape_cast %get3A_12 : vector<1x128x64xf32> to vector<128x64xf32>
    %convert_element_type3A_14 = arith.truncf %get3A_13 : vector<128x64xf32> to vector<128x64xbf16>
    %dot_general3A_15 = arith.constant dense<0.000000e+00> : vector<10000x64xf32>
    %dot_general3A_16 = tpu.matmul %convert_element_type3A, %convert_element_type3A_14, %dot_general3A_15 {dimension_numbers = #tpu.dot_dimension_numbers<[1], [0], [0], [1], [0, 0, 1, 1], [], []>, transpose_lhs_hint = false} : vector<10000x128xbf16>, vector<128x64xbf16>, vector<10000x64xf32> -> vector<10000x64xf32>
    %convert_element_type3A_17 = arith.truncf %dot_general3A_8 : vector<10000x64xf32> to vector<10000x64xbf16>
    %convert_element_type3A_18 = arith.extf %convert_element_type3A_17 : vector<10000x64xbf16> to vector<10000x64xf32>
    %bitcast_convert_type3A = tpu.bitcast %convert_element_type3A_18 : vector<10000x64xf32> -> vector<10000x64xi32>
    %convert_element_type3A_19 = arith.truncf %dot_general3A_16 : vector<10000x64xf32> to vector<10000x64xbf16>
    %convert_element_type3A_20 = arith.extf %convert_element_type3A_19 : vector<10000x64xbf16> to vector<10000x64xf32>
    %bitcast_convert_type3A_21 = tpu.bitcast %convert_element_type3A_20 : vector<10000x64xf32> -> vector<10000x64xi32>
    %shift_right_logical3A = arith.constant 16 : i32
    %shift_right_logical3A_22 = vector.broadcast %shift_right_logical3A : i32 to vector<10000x64xi32>
    %shift_right_logical3A_23 = arith.shrui %bitcast_convert_type3A, %shift_right_logical3A_22 : vector<10000x64xi32>
    %or3A = arith.ori %bitcast_convert_type3A_21, %shift_right_logical3A_23 : vector<10000x64xi32>
    %swap3A = arith.constant 0 : index
    %swap3A_24 = arith.constant 0 : index
    %swap3A_25 = arith.constant 0 : index
    %swap3A_26 = vector.load %arg4[%swap3A, %swap3A_24, %swap3A_25] : memref<1x10000x64xi32, #tpu.memory_space<vmem>>, vector<1x10000x64xi32>
    %swap3A_27 = vector.shape_cast %swap3A_26 : vector<1x10000x64xi32> to vector<10000x64xi32>
    %swap3A_28 = vector.shape_cast %or3A : vector<10000x64xi32> to vector<1x10000x64xi32>
    tpu.vector_store %arg4[%swap3A, %swap3A_24, %swap3A_25], %swap3A_28 {strides = array<i32>} : memref<1x10000x64xi32, #tpu.memory_space<vmem>>, vector<1x10000x64xi32>,
    return
  }
  func.func @transform_0(%arg0: i32) -> (i32, i32) {
    %c0_i32 = arith.constant 0 : i32
    %c0_i32_0 = arith.constant 0 : i32
    %c0_i32_1 = arith.constant 0 : i32
    return %c0_i32, %c0_i32_0 : i32, i32
  }
  func.func @transform_1(%arg0: i32) -> (i32, i32, i32) {
    %c0_i32 = arith.constant 0 : i32
    %c0_i32_0 = arith.constant 0 : i32
    %c0_i32_1 = arith.constant 0 : i32
    return %arg0, %c0_i32, %c0_i32_0 : i32, i32, i32
  }
  func.func @transform_2(%arg0: i32) -> (i32, i32, i32) {
    %c0_i32 = arith.constant 0 : i32
    %c0_i32_0 = arith.constant 0 : i32
    %c0_i32_1 = arith.constant 0 : i32
    return %arg0, %c0_i32, %c0_i32_0 : i32, i32, i32
  }
  func.func @transform_3(%arg0: i32) -> (i32, i32, i32) {
    %c0_i32 = arith.constant 0 : i32
    %c0_i32_0 = arith.constant 0 : i32
    %c0_i32_1 = arith.constant 0 : i32
    return %arg0, %c0_i32, %c0_i32_0 : i32, i32, i32
  }
}

module attributes {stable_mosaic.version = 14 : i64} {
  func.func @body(%arg0: memref<2x10112x128xf32, #tpu.memory_space<vmem>>, %arg1: memref<10000x128xf32, #tpu.memory_space<vmem>>) attributes {dimension_semantics = [], scalar_prefetch = 0 : i64, scratch_operands = 0 : i64, tpu.core_type = #tpu.core_type<tc>} {
    %get3A = arith.constant 0 : index
    %get3A_0 = arith.constant 0 : index
    %get3A_1 = arith.constant 0 : index
    %get3A_2 = vector.load %arg0[%get3A, %get3A_0, %get3A_1] : memref<2x10112x128xf32, #tpu.memory_space<vmem>>, vector<1x10000x128xf32>
    %get3A_3 = vector.shape_cast %get3A_2 : vector<1x10000x128xf32> to vector<10000x128xf32>
    %get3A_4 = arith.constant 1 : index
    %get3A_5 = arith.constant 0 : index
    %get3A_6 = arith.constant 0 : index
    %get3A_7 = vector.load %arg0[%get3A_4, %get3A_5, %get3A_6] : memref<2x10112x128xf32, #tpu.memory_space<vmem>>, vector<1x10000x128xf32>
    %get3A_8 = vector.shape_cast %get3A_7 : vector<1x10000x128xf32> to vector<10000x128xf32>
    %add3A = arith.addf %get3A_3, %get3A_8 : vector<10000x128xf32>
    %swap3A = arith.constant 0 : index
    %swap3A_9 = arith.constant 0 : index
    %swap3A_10 = vector.load %arg1[%swap3A, %swap3A_9] : memref<10000x128xf32, #tpu.memory_space<vmem>>, vector<10000x128xf32>
    tpu.vector_store %arg1[%swap3A, %swap3A_9], %add3A {strides = array<i32>} : memref<10000x128xf32, #tpu.memory_space<vmem>>, vector<10000x128xf32>,
    return
  }
}

</mosaic_0001>

<sc_bundles>
// kernel: kernel.5.cloned.1.call-start
scs
__scs_entry_jumppad:
0x0: {  	(pc) =	sbr.rel $0x88, $3  }
0x1: {  	(tag) =	ssettag $0x0;
	lr =	simm.s32 $0x1  }
0x2: {  	[smem:$0x3F9C] =	sst lr;
	_ =	strace $0xD0000000  }
0x3: {  	_ = 	snop  }
0x4: {  	_ = 	snop  }
0x5: {  	_ = 	snop  }
0x6: {  	_ = 	snop  }
0x7: {  	_ = 	snop  }
__scs_overlays_trampoline_lowered:
0x8: {  	[smem:$0x3FAB] =	sst s0  }
0x9: {  	[smem:$0x3FAC] =	sst s1  }
0xa: {  	[smem:$0x3FAD] =	sst s2  }
0xb: {  	[smem:$0x3FAE] =	sst s3  }
0xc: {  	[smem:$0x3FAF] =	sst s4  }
0xd: {  	[smem:$0x3FB0] =	sst s5  }
0xe: {  	[smem:$0x3FB1] =	sst s6  }
0xf: {  	[smem:$0x3FB2] =	sst s7  }
0x10: {  	[smem:$0x3FB3] =	sst s8  }
0x11: {  	[smem:$0x3FB4] =	sst s9;
	s0 =	simm.s32 @!p0 $0x0  }
0x12: {  	s1 =	sld [smem:$0x3F9A];
	s0 =	simm.s32 @p0 $0x1  }
0x13: {  	[smem:$0x3FB5] =	sst s0;
	s0 =	simm.s32 @!p1 $0x0  }
0x14: {  	s2 =	sld [smem:$0x3F99];
	s0 =	simm.s32 @p1 $0x1  }
0x15: {  	[smem:$0x3FB6] =	sst s0;
	s0 =	simm.s32 @!p2 $0x0  }
0x16: {  	s3 =	sld [smem:$0x3FDB];
	s0 =	simm.s32 @p2 $0x1  }
0x17: {  	s4 =	simm.s32 $0x1BF5;
	[smem:$0x3FB8] =	sst s0  }
0x18: {  	s0 =	sld [smem:$0x3F9B];
	_ =	swait.ge [sflag:s4], $0x0  }
0x19: {  	s7 =	sld [smem:$0x3F9C]  }
0x1a: {  	s8 =	sadd.s32 $0xFFFFE003, lr  }
0x1b: {  	s9 =	sadd.s32 $0xFFFFFEF7, lr;
	s5 =	simm.s32 $0xFFFFFFFF;
	p2 =	slt.u32 s8, $0xFFFFF086  }
0x1c: {  	p1 =	slt.u32 s9, $0xF7A;
	s5 =	simm.s32 @!p2 $0x0  }
0x1d: {  	s5 =	simm.s32 @p1 $0x1;
	p0 =	seq.s32 s7, s2  }
0x1e: {  	s7 =	smul.u32 @!p0 $0xF7A, s2;
	p2 =	seq.s32 @!p0 s5, $0x0  }
0x1f: {  	s9 =	smul.u32 $0xF7A, s1;
	s8 =	simm.s32 @!p0 $0x1BF5;
	p2 =	por !p2, p0  }
0x20: {  	[sflag:s8] =	ssyncset.s32 @!p0 $0xFFFFF086;
	s6 =	sadd.s32 @!p0 s3, s7;
	s7 =	simm.s32 @!p0 $0x108  }
0x21: {  	s3 =	sadd.s32 s3, s9;
	s6 =	sadd.s32 @!p0 $0x88, s6;
	s7 =	simm.s32 @p2 $0x1082  }
0x22: {  	[simem:s7], [sflag:s8] =	dma.local @!p0 [hbm:s6], $0xF7A  }
0x23: {  	s9 =	sor.u32 $0xD0000000, s2;
	s6 =	simm.s32 $0x108;
	_ =	swait.ge @!p0 [sflag:s8], $0x0  }
0x24: {  	s3 =	sadd.s32 $0x88, s3;
	s6 =	simm.s32 @!p1 $0x1082;
	[sflag:s4] =	ssyncset.s32 $0xFFFFF086  }
0x25: {  	[simem:s6], [sflag:s4] =	dma.local [hbm:s3], $0xF7A  }
0x26: {  	[smem:$0x3F9C] =	sst s1;
	(tag) =	ssettag s2;
	_ =	strace s9  }
0x27: {  	s1 =	sld [smem:$0x3FAC]  }
0x28: {  	s2 =	sld [smem:$0x3FAD]  }
0x29: {  	s4 =	sld [smem:$0x3FAF]  }
0x2a: {  	p0 =	seq.s32 s5, $0x0;
	s5 =	sld [smem:$0x3FB0]  }
0x2b: {  	s6 =	sld [smem:$0x3FB1]  }
0x2c: {  	s7 =	sld [smem:$0x3FB2]  }
0x2d: {  	s3 =	simm.s32 $0x108;
	s8 =	sld [smem:$0x3FB3]  }
0x2e: {  	s3 =	simm.s32 @!p0 $0x1082;
	s9 =	sld [smem:$0x3FB4]  }
0x2f: {  	lr =	sadd.s32 s0, s3;
	s0 =	sld [smem:$0x3FAB]  }
0x30: {  	s3 =	sld [smem:$0x3FAE]  }
0x31: {  	[smem:$0x3FB7] =	sst s10  }
0x32: {  	s10 =	sld [smem:$0x3FB5];
	_ =	sdelay $0x3  }
0x33: {  	p0 =	seq.s32 s10, $0x1;
	s10 =	sld [smem:$0x3FB7];
	_ =	sdelay $0x3  }
0x34: {  	[smem:$0x3FB7] =	sst s10  }
0x35: {  	s10 =	sld [smem:$0x3FB6];
	_ =	sdelay $0x3  }
0x36: {  	p1 =	seq.s32 s10, $0x1;
	s10 =	sld [smem:$0x3FB7];
	_ =	sdelay $0x3  }
0x37: {  	[smem:$0x3FB7] =	sst s10  }
0x38: {  	s10 =	sld [smem:$0x3FB8]  }
0x39: {  	_ = 	snop;
	(pc) =	sbr.ind lr, $3  }
0x3a: {  	_ = 	snop  }
0x3b: {  	_ = 	snop  }
0x3c: {  	p2 =	seq.s32 s10, $0x1;
	s10 =	sld [smem:$0x3FB7]  }
0x3d: {  	_ =	shalt  }
0x3e: {  	_ =	shalt  }
0x3f: {  	_ =	shalt  }
0x40: {  	_ =	shalt  }
0x41: {  	_ =	shalt  }
0x42: {  	_ =	shalt  }
0x43: {  	_ =	shalt  }
0x44: {  	_ =	shalt  }
0x45: {  	_ =	shalt  }
0x46: {  	_ =	shalt  }
0x47: {  	_ =	shalt  }
0x48: {  	_ =	shalt  }
0x49: {  	_ =	shalt  }
0x4a: {  	_ =	shalt  }
0x4b: {  	_ =	shalt  }
0x4c: {  	_ =	shalt  }
0x4d: {  	_ =	shalt  }
0x4e: {  	_ =	shalt  }
0x4f: {  	_ =	shalt  }
0x50: {  	_ =	shalt  }
0x51: {  	_ =	shalt  }
0x52: {  	_ =	shalt  }
0x53: {  	_ =	shalt  }
0x54: {  	_ =	shalt  }
0x55: {  	_ =	shalt  }
0x56: {  	_ =	shalt  }
0x57: {  	_ =	shalt  }
0x58: {  	_ =	shalt  }
0x59: {  	_ =	shalt  }
0x5a: {  	_ =	shalt  }
0x5b: {  	_ =	shalt  }
0x5c: {  	_ =	shalt  }
0x5d: {  	_ =	shalt  }
0x5e: {  	_ =	shalt  }
0x5f: {  	_ =	shalt  }
0x60: {  	_ =	shalt  }
0x61: {  	_ =	shalt  }
0x62: {  	_ =	shalt  }
0x63: {  	_ =	shalt  }
0x64: {  	_ =	shalt  }
0x65: {  	_ =	shalt  }
0x66: {  	_ =	shalt  }
0x67: {  	_ =	shalt  }
0x68: {  	_ =	shalt  }
0x69: {  	_ =	shalt  }
0x6a: {  	_ =	shalt  }
0x6b: {  	_ =	shalt  }
0x6c: {  	_ =	shalt  }
0x6d: {  	_ =	shalt  }
0x6e: {  	_ =	shalt  }
0x6f: {  	_ =	shalt  }
0x70: {  	_ =	shalt  }
0x71: {  	_ =	shalt  }
0x72: {  	_ =	shalt  }
0x73: {  	_ =	shalt  }
0x74: {  	_ =	shalt  }
0x75: {  	_ =	shalt  }
0x76: {  	_ =	shalt  }
0x77: {  	_ =	shalt  }
0x78: {  	_ =	shalt  }
0x79: {  	_ =	shalt  }
0x7a: {  	_ =	shalt  }
0x7b: {  	_ =	shalt  }
0x7c: {  	_ =	shalt  }
0x7d: {  	_ =	shalt  }
0x7e: {  	_ =	shalt  }
0x7f: {  	_ =	shalt  }
0x80: {  	_ =	shalt  }
0x81: {  	_ =	shalt  }
0x82: {  	_ =	shalt  }
0x83: {  	_ =	shalt  }
0x84: {  	_ =	shalt  }
0x85: {  	_ =	shalt  }
0x86: {  	_ =	shalt  }
0x87: {  	_ =	shalt  }
.Lfunc_end0:
.L_simem_size_0:
called_computation_lowered:
.L_overlay_start_0:
0x88: {  	s2 =	sld [smem:$0x3FD9]  }
0x89: {  	s3 =	sld [smem:$0x3FFE];
	_ =	sdelay $0x1  }
0x8a: {  	s1 =	srdreg.scid  }
0x8b: {  	s0 =	sand.u32 $0x1, s1  }
0x8c: {  	s17 =	sshll.u32 s0, $0xA;
	s2 =	sadd.s32 s3, s2  }
0x8d: {  	s2 =	sadd.s32 s2, s17  }
0x8e: {  	[smem:$0x3FC3] =	sst s2  }
0x8f: {  	_ = 	snop  }
0x90: {  	s2 =	sld [smem:$0x3FD0];
	(tm) =	ssettm $0x1  }
0x91: {  	s18 =	sld [smem:$0x3FFB];
	_ =	sdelay $0x3  }
0x92: {  	_ =	strace s18  }
0x93: {  	s3 =	sld [smem:$0x3FFC];
	_ =	sdelay $0x3  }
0x94: {  	_ =	strace s3  }
0x95: {  	s3 =	sld [smem:$0x3FFD];
	_ =	sdelay $0x3  }
0x96: {  	_ =	strace s3  }
0x97: {  	_ =	strace $0x8FFFFFFF  }
0x98: {  	s19 =	sld [smem:$0x3FDB];
	_ =	sdelay $0x1  }
0x99: {  	s4 =	simm.s32 $_scs_section_size  }
0x9a: {  	s5 =	simm.s32 $_size__tile_overlayer_lowered;
	s6 =	simm.s32 $_tile_overlayer_lowered  }
0x9b: {  	s22 =	simm.s32 $0x1BFF;
	s21 =	sshll.u32 s6, $0x1;
	s3 =	sadd.s32 s4, s19  }
0x9c: {  	s7 =	simm.s32 $0x0;
	s20 =	sshll.u32 s5, $0x1;
	s5 =	sadd.s32 s21, s3  }
0x9d: {  	[timem:s7], [sflag:s22] =	dma.local [hbm:s5], s20  }
0x9e: {  	_ =	swait.ge [sflag:s22], s20  }
0x9f: {  	s4 =	ssub.s32 $0x0, s20;
	[sflag:s22] =	ssyncset.done $0x0  }
0xa0: {  	[sflag:s22] =	ssyncadd.s32 s4;
	_ =	sdelay $0x1  }
0xa1: {  	s23 =	simm.s32 $0x1B8B  }
0xa2: {  	_ =	swait.ge [sflag:s23], $0x1  }
0xa3: {  	[sflag:s23] =	ssyncset.done $0x0  }
0xa4: {  	s25 =	simm.s32 $0x1B8E;
	s24 =	sld [smem:$0x3FFE];
	[sflag:s23] =	ssyncadd.s32 $0xFFFFFFFF  }
0xa5: {  	s26 =	simm.s32 $execute0_lowered;
	[smem:$0x3FD2] =	sst s25  }
0xa6: {  	s5 =	sshll.u32 s26, $0x1;
	_ =	strace $0x80000046;
	[dreg:$0x1] =	wrdreg $0xFFFFFFFF  }
0xa7: {  	s28 =	simm.s32 $_size_execute0_lowered;
	s3 =	sadd.s32 s3, s5;
	[dreg:$0x0] =	wrdreg $0x0  }
0xa8: {  	s5 =	sshll.u32 s28, $0x1;
	[dreg:$0x2] =	wrdreg s3  }
0xa9: {  	[dreg:$0x3] =	wrdreg s5  }
0xaa: {  	[dreg:$0x4] =	wrdreg $0xC0  }
0xab: {  	_ =	task [dreg:s7], $0x5FFFF  }
0xac: {  	[dreg:$0x1] =	wrdreg $0xFFFFFFFF  }
0xad: {  	[dreg:$0x0] =	wrdreg $0x60  }
0xae: {  	[dreg:$0x2] =	wrdreg s24  }
0xaf: {  	[dreg:$0x3] =	wrdreg s2  }
0xb0: {  	[dreg:$0x4] =	wrdreg $0x83000  }
0xb1: {  	[dreg:$0x5] =	wrdreg $0x9  }
0xb2: {  	_ =	task.clear_ibuf [dreg:s7], $0x6FFFF;
	_ =	strace $0x90000046  }
0xb3: {  	s29 =	simm.s32 $0x9;
	_ =	strace $0x80000048  }
0xb4: {  	_ =	swait.ge [sflag:s29], $0x1  }
0xb5: {  	[sflag:s29] =	ssyncadd.s32 $0xFFFFFFFF  }
0xb6: {  	_ =	strace $0x90000048  }
0xb7: {  	_ =	sfence  }
0xb8: {  	s30 =	sld [smem:$0x0];
	_ =	sdelay $0x2  }
0xb9: {  	s31 =	sshll.u32 s1, $0xD;
	s1 =	sshrl.u32 s1, $0x2  }
0xba: {  	s3 =	sand.u32 $0x4000, s31;
	s1 =	sadd.s32 s1, s30  }
0xbb: {  	s0 =	sor.u32 s3, s0;
	s1 =	sshll.u32 s1, $0x11  }
0xbc: {  	s0 =	sor.u32 s1, s0  }
0xbd: {  	s0 =	sadd.s32 $0x8F2B, s0  }
0xbe: {  	[sflag:s0] =	ssyncadd.remote.s32 $0x1  }
0xbf: {  	_ =	sfence.sel $0xFFFF  }
0xc0: {  	[dreg:$0x0] =	wrdreg $0xFFFFFFFF;
	(pc) =	sbr.abs _section_cstart, $3  }
0xc1: {  	[dreg:$0x1] =	wrdreg $0xFFFFFFFF  }
0xc2: {  	_ =	task.clear_ibuf [dreg:s7], $0x2FFFF;
	_ =	strace $0x9FFFFFFF  }
0xc3: {  	(tm) =	ssettm $0x7FFFFFFF  }
tec
execute0_lowered:
.L_overlay_start_1:
0x0: {  	(tag) =	ssettag $0x1  }
0x1: {  	s0 =	rddreg [dreg:$0x0]  }
0x2: {  	s2 =	rddreg [dreg:$0x1]  }
0x3: {  	s3 =	rddreg [dreg:$0x2];
	s12 =	stileid.u32;
	s4 =	simm.s32 $0x0  }
0x4: {  	s5 =	srdreg.scid;
	s18 =	simm.s32 $0x3;
	s19 =	simm.s32 $0x200  }
0x5: {  	s28 =	simm.s32 $0x2;
	s29 =	simm.s32 $0x180;
	s30 =	simm.s32 $0x0  }
0x6: {  	s1 =	smul.u32 $0x13C00, s12;
	[smem:$0x7FF] =	sst s4;
	s7 =	sand.u32 $0x1, s5  }
0x7: {  	s5 =	sadd.s32 $0x271400, s0;
	s6 =	sadd.s32 $0x400, s0;
	s23 =	sshll.u32 s12, $0x6  }
0x8: {  	s9 =	smul.u32 $0x13C000, s7;
	s10 =	ssub.s32 $0x2, s7;
	s7 =	sshll.u32 s7, $0x4  }
0x9: {  	_ =	strace $0x80000047;
	s8 =	sshrl.u32 s1, $0x3;
	s7 =	sor.u32 s12, s7  }
0xa: {  	s11 =	sshrl.u32 s10, $0x1;
	s8 =	sadd.s32 s8, s0;
	s21 =	smul.u32 $0x50, s7  }
0xb: {  	s9 =	sadd.s32 s1, s9;
	s20 =	ssub.s32 s10, s11;
	s22 =	smul.u32 $0xA00, s7  }
0xc: {  	s1 =	sadd.s32 s1, s3;
	s7 =	smul.u32 $0x500, s7;
	s9 =	sshrl.u32 s9, $0x3  }
0xd: {  	s8 =	sadd.s32 $0xA400, s8;
	s16 =	smax.u32 s20, $0x1;
	s17 =	sshrl.u32 s1, $0x3  }
0xe: {  	s20 =	simm.s32 $0x80;
	s0 =	sadd.s32 s9, s0;
	[dreg:$0x4] =	wrdreg s8  }
0xf: {  	s24 =	sor.u32 $0x1, s21;
	s8 =	sor.u32 $0x1C03, s23;
	s11 =	sadd.s32 s2, s22  }
0x10: {  	s7 =	sadd.s32 s6, s7;
	s13 =	sor.u32 $0x2, s21;
	s14 =	sor.u32 $0x3, s21  }
.Ltmp0:
0x11: {  	s22 =	simm.s32 $0x100;
	[dreg:$0x5] =	wrdreg s11;
	(pc) =	sbr.rel .LBB2_1-.Ltmp0, $4  }
0x12: {  	s23 =	simm.s32 $0x280;
	s25 =	sshll.u32 s24, $0x5;
	[dreg:$0x6] =	wrdreg s7  }
0x13: {  	s31 =	sshll.u32 s24, $0x4;
	s15 =	sadd.s32 $0x31C00, s0;
	s26 =	sadd.s32 s2, s25  }
0x14: {  	s24 =	simm.s32 $0x2300;
	s7 =	sadd.s32 s6, s31;
	[dreg:$0x7] =	wrdreg s26  }
0x15: {  	s25 =	simm.s32 $0x1;
	[dreg:$0x8] =	wrdreg s7;
	s26 =	simm.s32 $0x4300  }
.LBB2_8:
0x16: {  	s30 =	sadd.s32 $0x1, s30  }
0x17: {  	p0 =	sne.s32 s30, s16  }
.Ltmp1:
0x18: {  	[bflag:$0x0] =	sbarrier.arrive $0xFFFF;
	(pc) =	sbr.rel @!p0 .LBB2_9-.Ltmp1, $4  }
0x19: {  	[hbm:s15], [sflag:s8] =	dma.local [spmem:s17], $0x2780  }
0x1a: {  	_ =	swait.ge [sflag:s18], $0x2780  }
0x1b: {  	[sflag:s18] =	ssyncset.done $0x0  }
0x1c: {  	[sflag:s18] =	ssyncadd.s32 $0xFFFFD880  }
.LBB2_1:
0x1d: {  	s0 =	rddreg [dreg:$0x4]  }
0x1e: {  	[spmem:s17], [sflag:s8] =	dma.local [hbm:s0], $0x2780  }
0x1f: {  	_ =	swait.ge [sflag:s18], $0x2780  }
0x20: {  	[sflag:s18] =	ssyncset.done $0x0  }
0x21: {  	[sflag:s18] =	ssyncadd.s32 $0xFFFFD880  }
0x22: {  	[bflag:$0x0] =	sbarrier.arrive $0xFFFF  }
0x23: {  	s9 =	rddreg [dreg:$0x5]  }
0x24: {  	[tilespmem:s4], [sflag:$0x3] =	stream.linear.gather [hbm4b:s9+s4], $0x100, $0x38;
	[tilespmem:$0x1BF00] =	vst v63  }
0x25: {  	_ =	swait.ge [sflag:s18], $0x100  }
0x26: {  	[sflag:s18] =	ssyncset.done $0x0  }
0x27: {  	s10 =	rddreg [dreg:$0x6];
	[sflag:s18] =	ssyncadd.s32 $0xFFFFFF00  }
0x28: {  	[tilespmem:s19], [sflag:$0x3] =	stream.linear.gather [hbm4b:s10+s4], $0x80, $0x38;
	[tilespmem:$0x1BF00] =	vst v63  }
0x29: {  	_ =	swait.ge [sflag:s18], $0x80  }
0x2a: {  	[sflag:s18] =	ssyncset.done $0x0  }
0x2b: {  	s11 =	simm.s32 $0x300;
	[sflag:s18] =	ssyncadd.s32 $0xFFFFFF80  }
0x2c: {  	[tilespmem:s11], [sflag:$0x1] =	stream.indirect.gather [hbm4b:s5+s20], $0x40, s4, s20, $0xb8;
	[tilespmem:$0x1BF00] =	vst v63  }
0x2d: {  	s12 =	rddreg [dreg:$0x7]  }
0x2e: {  	[tilespmem:s22], [sflag:$0x3] =	stream.linear.gather [hbm4b:s12+s4], $0x100, $0x38;
	[tilespmem:$0x1BF00] =	vst v63  }
0x2f: {  	_ =	swait.ge [sflag:s18], $0x100  }
0x30: {  	[sflag:s18] =	ssyncset.done $0x0  }
0x31: {  	s21 =	rddreg [dreg:$0x8];
	[sflag:s18] =	ssyncadd.s32 $0xFFFFFF00  }
0x32: {  	[tilespmem:s23], [sflag:$0x3] =	stream.linear.gather [hbm4b:s21+s4], $0x80, $0x38;
	[tilespmem:$0x1BF00] =	vst v63  }
0x33: {  	_ =	swait.ge [sflag:s18], $0x80  }
0x34: {  	[sflag:s18] =	ssyncset.done $0x0  }
0x35: {  	s31 =	simm.s32 $0x0;
	[sflag:s18] =	ssyncadd.s32 $0xFFFFFF80  }
0x36: {  	[tilespmem:s24], [sflag:$0x2] =	stream.indirect.gather [hbm4b:s5+s20], $0x40, s22, s20, $0xb8;
	[tilespmem:$0x1BF00] =	vst v63  }
.LBB2_2:
0x37: {  	s0 =	simm.s32 $0x2  }
0x38: {  	v0 =	vmov s0  }
0x39: {  	v0 =	vand.u32 $0xFFFFFFFE, v0  }
0x3a: {  	s9 =	simm.s32 $0x1;
	v0 =	vbroadcast v0, $0x0  }
0x3b: {  	v1 =	vmov s9  }
0x3c: {  	_ =	swait.ge [sflag:s25], $0x2000;
	s10 =	simm.s32 $0x0;
	v1 =	vand.u32 $0xFFFFFFFD, v1  }
0x3d: {  	[sflag:s25] =	ssyncset.done $0x0;
	v2 =	vmov s10;
	v1 =	vbroadcast v1, $0x0  }
0x3e: {  	s1 =	simm.s32 $0x380;
	[sflag:s25] =	ssyncadd.s32 $0xFFFFE000;
	v2 =	vand.u32 $0xFFFFFFFC, v2  }
0x3f: {  	v3 =	vld [tilespmem:s1+$0x0];
	v2 =	vbroadcast v2, $0x0  }
0x40: {  	v7 =	vld.idx.msk [tilespmem:v0+s19+$0x0], $0xffff  }
0x41: {  	s11 =	simm.s32 $0x3  }
0x42: {  	v8 =	vld [tilespmem:s1+$0xFFFFFFC0];
	v0 =	vmov s11  }
0x43: {  	v6 =	vld.idx.msk [tilespmem:v1+s19+$0x0], $0xffff  }
0x44: {  	v9 =	vld [tilespmem:s1+$0xFFFFFF80];
	v1 =	vunpack.i.l.bf16.f32 v3  }
0x45: {  	v3 =	vunpack.i.u.bf16.f32 v3;
	v5 =	vld.idx.msk [tilespmem:v2+s19+$0x0], $0xffff;
	v1 =	vmul.f32 v1, v7  }
0x46: {  	s0 =	simm.s32 $0x4400;
	v2 =	vmul.f32 v3, v7;
	v3 =	vld [tilespmem:s1+$0x40]  }
0x47: {  	v4 =	vld.idx.msk [tilespmem:v0+s19+$0x0], $0xffff;
	v0 =	vunpack.i.l.bf16.f32 v8;
	[tilespmem:s0+$0x0] =	vst v1  }
0x48: {  	v0 =	vmul.f32 v0, v6;
	[tilespmem:s0+$0x10] =	vst v2;
	v1 =	vunpack.i.u.bf16.f32 v8  }
0x49: {  	v8 =	vunpack.i.l.bf16.f32 v9;
	v2 =	vld [tilespmem:s1+$0x10];
	v1 =	vmul.f32 v1, v6  }
0x4a: {  	v9 =	vunpack.i.u.bf16.f32 v9;
	v8 =	vmul.f32 v8, v5;
	[tilespmem:s0+$0xFFFFFF80] =	vst v0  }
0x4b: {  	v9 =	vmul.f32 v9, v5;
	v0 =	vunpack.i.l.bf16.f32 v3;
	[tilespmem:s0+$0xFFFFFF90] =	vst v1  }
0x4c: {  	v1 =	vunpack.i.u.bf16.f32 v3;
	[tilespmem:s0+$0xFFFFFF00] =	vst v8;
	v0 =	vmul.f32 v0, v4;
	v3 =	vld [tilespmem:s1+$0xFFFFFFD0]  }
0x4d: {  	[tilespmem:s0+$0xFFFFFF10] =	vst v9;
	v1 =	vmul.f32 v1, v4  }
0x4e: {  	v9 =	vld [tilespmem:s1+$0xFFFFFF90];
	v8 =	vunpack.i.l.bf16.f32 v2;
	[tilespmem:s0+$0x80] =	vst v0  }
0x4f: {  	v0 =	vunpack.i.u.bf16.f32 v2;
	[tilespmem:s0+$0x90] =	vst v1;
	v2 =	vmul.f32 v8, v7  }
0x50: {  	v0 =	vmul.f32 v0, v7;
	v1 =	vld [tilespmem:s1+$0x50]  }
0x51: {  	[tilespmem:s0+$0x20] =	vst v2;
	v2 =	vunpack.i.l.bf16.f32 v3  }
0x52: {  	[tilespmem:s0+$0x30] =	vst v0;
	v0 =	vunpack.i.u.bf16.f32 v3;
	v2 =	vmul.f32 v2, v6  }
0x53: {  	s7 =	simm.s32 $0x4;
	v10 =	vunpack.i.l.bf16.f32 v9;
	v3 =	vld [tilespmem:s1+$0x20];
	v0 =	vmul.f32 v0, v6  }
0x54: {  	v8 =	vmov s7;
	v9 =	vunpack.i.u.bf16.f32 v9;
	v10 =	vmul.f32 v10, v5;
	[tilespmem:s0+$0xFFFFFFA0] =	vst v2  }
0x55: {  	s12 =	simm.s32 $0x6;
	v2 =	vand.u32 $0xFFFFFFFC, v8;
	v8 =	vmul.f32 v9, v5;
	[tilespmem:s0+$0xFFFFFFB0] =	vst v0;
	v0 =	vunpack.i.l.bf16.f32 v1  }
0x56: {  	s9 =	simm.s32 $0x7;
	v1 =	vunpack.i.u.bf16.f32 v1;
	[tilespmem:s0+$0xFFFFFF20] =	vst v10;
	v10 =	vmov s12;
	v9 =	vld [tilespmem:s1+$0xFFFFFFE0];
	v0 =	vmul.f32 v0, v4  }
0x57: {  	v11 =	vmov s9;
	v1 =	vmul.f32 v1, v4;
	[tilespmem:s0+$0xFFFFFF30] =	vst v8;
	v8 =	vand.u32 $0xFFFFFFFE, v10  }
0x58: {  	s21 =	simm.s32 $0x5;
	v2 =	vbroadcast v2, $0x0;
	v10 =	vunpack.i.l.bf16.f32 v3;
	[tilespmem:s0+$0xA0] =	vst v0;
	v8 =	vbroadcast v8, $0x0  }
0x59: {  	v12 =	vld [tilespmem:s1+$0xFFFFFFA0];
	v0 =	vunpack.i.u.bf16.f32 v3;
	[tilespmem:s0+$0xB0] =	vst v1;
	v3 =	vmul.f32 v10, v7;
	v10 =	vmov s21  }
0x5a: {  	v1 =	vmul.f32 v0, v7;
	s21 =	simm.s32 $0x480;
	v0 =	vand.u32 $0xFFFFFFFD, v10;
	v10 =	vld [tilespmem:s1+$0x60]  }
0x5b: {  	v14 =	vld [tilespmem:s21+$0x0];
	[tilespmem:s0+$0x40] =	vst v3;
	v3 =	vunpack.i.l.bf16.f32 v9  }
0x5c: {  	v13 =	vbroadcast v0, $0x0;
	v0 =	vld.idx.msk [tilespmem:v11+s19+$0x0], $0xffff;
	[tilespmem:s0+$0x50] =	vst v1;
	v3 =	vmul.f32 v3, v6  }
0x5d: {  	v1 =	vunpack.i.u.bf16.f32 v9;
	v9 =	vld [tilespmem:s1+$0x30]  }
0x5e: {  	v11 =	vmul.f32 v1, v6;
	v1 =	vunpack.i.l.bf16.f32 v12;
	[tilespmem:s0+$0xFFFFFFC0] =	vst v3;
	v3 =	vld.idx.msk [tilespmem:v8+s19+$0x0], $0xffff  }
0x5f: {  	v12 =	vunpack.i.u.bf16.f32 v12;
	v15 =	vmul.f32 v1, v5;
	v1 =	vld.idx.msk [tilespmem:v2+s19+$0x0], $0xffff  }
0x60: {  	v8 =	vmul.f32 v12, v5;
	[tilespmem:s0+$0xFFFFFFD0] =	vst v11;
	v12 =	vld [tilespmem:s21+$0xFFFFFFC0];
	v2 =	vunpack.i.l.bf16.f32 v10  }
0x61: {  	v10 =	vunpack.i.u.bf16.f32 v10;
	[tilespmem:s0+$0xFFFFFF40] =	vst v15;
	v11 =	vmul.f32 v2, v4;
	v15 =	vld [tilespmem:s21+$0x40]  }
0x62: {  	v10 =	vmul.f32 v10, v4;
	[tilespmem:s0+$0xFFFFFF50] =	vst v8;
	v2 =	vld.idx.msk [tilespmem:v13+s19+$0x0], $0xffff;
	v8 =	vunpack.i.u.bf16.f32 v9  }
0x63: {  	v13 =	vld [tilespmem:s21+$0xFFFFFF80];
	[tilespmem:s0+$0xC0] =	vst v11;
	v8 =	vmul.f32 v8, v7;
	v11 =	vunpack.i.l.bf16.f32 v14  }
0x64: {  	[tilespmem:s0+$0xD0] =	vst v10;
	v10 =	vunpack.i.u.bf16.f32 v14;
	v11 =	vmul.f32 v11, v3  }
0x65: {  	s7 =	simm.s32 $0x4600;
	v9 =	vunpack.i.l.bf16.f32 v9;
	v14 =	vld [tilespmem:s1+$0xFFFFFFF0];
	[tilespmem:s0+$0x70] =	vst v8;
	v8 =	vmul.f32 v10, v3  }
0x66: {  	v7 =	vmul.f32 v9, v7;
	v9 =	vld [tilespmem:s1+$0xFFFFFFB0];
	v10 =	vunpack.i.l.bf16.f32 v12;
	[tilespmem:s7+$0x0] =	vst v11  }
0x67: {  	v12 =	vunpack.i.u.bf16.f32 v12;
	v11 =	vld [tilespmem:s1+$0x70];
	v16 =	vunpack.i.u.bf16.f32 v15;
	v10 =	vmul.f32 v10, v2;
	[tilespmem:s7+$0x10] =	vst v8  }
0x68: {  	[tilespmem:s0+$0x60] =	vst v7;
	v8 =	vunpack.i.l.bf16.f32 v13;
	v7 =	vmul.f32 v12, v2;
	v13 =	vunpack.i.u.bf16.f32 v13;
	v12 =	vld [tilespmem:s21+$0x10]  }
0x69: {  	v8 =	vmul.f32 v8, v1;
	v13 =	vmul.f32 v13, v1;
	[tilespmem:s7+$0xFFFFFF80] =	vst v10;
	v10 =	vunpack.i.l.bf16.f32 v15  }
0x6a: {  	v15 =	vunpack.i.u.bf16.f32 v14;
	[tilespmem:s7+$0xFFFFFF90] =	vst v7;
	v7 =	vunpack.i.l.bf16.f32 v14;
	v14 =	vmul.f32 v16, v0  }
0x6b: {  	v17 =	vunpack.i.u.bf16.f32 v9;
	v10 =	vmul.f32 v10, v0;
	v16 =	vld [tilespmem:s21+$0xFFFFFFD0];
	[tilespmem:s7+$0xFFFFFF10] =	vst v13;
	v13 =	vmul.f32 v7, v6  }
0x6c: {  	[tilespmem:s7+$0xFFFFFF00] =	vst v8;
	v8 =	vunpack.i.l.bf16.f32 v9;
	v15 =	vmul.f32 v15, v6;
	v7 =	vmul.f32 v17, v5  }
0x6d: {  	s10 =	simm.s32 $0xB;
	v9 =	vunpack.i.u.bf16.f32 v11;
	v18 =	vld [tilespmem:s21+$0xFFFFFF90];
	v8 =	vmul.f32 v8, v5;
	[tilespmem:s7+$0x90] =	vst v14;
	v6 =	vunpack.i.l.bf16.f32 v12  }
0x6e: {  	v14 =	vmov s10;
	[tilespmem:s7+$0x80] =	vst v10;
	v10 =	vunpack.i.u.bf16.f32 v12;
	v12 =	vmul.f32 v6, v3  }
0x6f: {  	s9 =	simm.s32 $0x8;
	[tilespmem:s0+$0xFFFFFFE0] =	vst v13;
	v5 =	vmul.f32 v9, v4;
	v6 =	vunpack.i.l.bf16.f32 v11;
	v10 =	vmul.f32 v10, v3;
	v11 =	vld [tilespmem:s21+$0x50]  }
0x70: {  	v9 =	vmov s9;
	v6 =	vmul.f32 v6, v4;
	v4 =	vunpack.i.l.bf16.f32 v16;
	[tilespmem:s7+$0x20] =	vst v12  }
0x71: {  	v9 =	vand.u32 $0xFFFFFFFC, v9;
	v12 =	vunpack.i.u.bf16.f32 v16;
	v4 =	vmul.f32 v4, v2;
	[tilespmem:s7+$0x30] =	vst v10  }
0x72: {  	s11 =	simm.s32 $0x9;
	[tilespmem:s0+$0xFFFFFFF0] =	vst v15;
	v9 =	vbroadcast v9, $0x0;
	v13 =	vunpack.i.u.bf16.f32 v18;
	v10 =	vmul.f32 v12, v2;
	v16 =	vld [tilespmem:s21+$0x20]  }
0x73: {  	v12 =	vunpack.i.l.bf16.f32 v18;
	v15 =	vmul.f32 v13, v1;
	[tilespmem:s7+$0xFFFFFFA0] =	vst v4;
	v4 =	vmov s11  }
0x74: {  	v12 =	vmul.f32 v12, v1;
	[tilespmem:s7+$0xFFFFFFB0] =	vst v10;
	v10 =	vunpack.i.l.bf16.f32 v11;
	v4 =	vand.u32 $0xFFFFFFFD, v4  }
0x75: {  	s12 =	simm.s32 $0xA;
	v11 =	vunpack.i.u.bf16.f32 v11;
	[tilespmem:s7+$0xFFFFFF30] =	vst v15;
	v17 =	vmul.f32 v10, v0;
	v13 =	vld [tilespmem:s21+$0xFFFFFFE0];
	v10 =	vbroadcast v4, $0x0  }
0x76: {  	[tilespmem:s7+$0xFFFFFF20] =	vst v12;
	v63 =	vmul.f32 v11, v0;
	v11 =	vmov s12  }
0x77: {  	v4 =	vand.u32 $0xFFFFFFFE, v11;
	v12 =	vld [tilespmem:s21+$0xFFFFFFA0];
	v19 =	vunpack.i.l.bf16.f32 v16;
	[tilespmem:s7+$0xA0] =	vst v17  }
0x78: {  	s1 =	simm.s32 $0x4600;
	s10 =	simm.s32 $0xC;
	s9 =	simm.s32 $0x480;
	v11 =	vbroadcast v4, $0x0;
	v4 =	vld.idx.msk [tilespmem:v14+s19+$0x0], $0xffff;
	v15 =	vunpack.i.u.bf16.f32 v16;
	[tilespmem:s7+$0xB0] =	vst v63;
	v14 =	vmul.f32 v19, v3  }
.LBB2_3:
0x79: {  	p0 =	slt.u32 s10, $0x7C;
	v15 =	vmul.f32 v15, v3;
	v16 =	vld [tilespmem:s21+$0x60];
	[tilespmem:s0+$0xFFFFFF60] =	vst v8  }
0x7a: {  	v9 =	vld.idx.msk [tilespmem:v9+s19+$0x0], $0xffff;
	v8 =	vunpack.i.u.bf16.f32 v13;
	v13 =	vunpack.i.l.bf16.f32 v13;
	[tilespmem:s7+$0x40] =	vst v14  }
0x7b: {  	v10 =	vld.idx.msk [tilespmem:v10+s19+$0x0], $0xffff;
	v13 =	vmul.f32 v13, v2;
	v8 =	vmul.f32 v8, v2;
	[tilespmem:s7+$0x50] =	vst v15  }
0x7c: {  	s21 =	sadd.s32 $0x100, s21;
	v14 =	vunpack.i.u.bf16.f32 v12;
	v12 =	vunpack.i.l.bf16.f32 v12;
	v15 =	vld [tilespmem:s9+$0x30];
	[tilespmem:s0+$0xFFFFFF70] =	vst v7  }
0x7d: {  	v7 =	vld [tilespmem:s21+$0x0];
	v12 =	vmul.f32 v12, v1;
	v14 =	vmul.f32 v14, v1;
	[tilespmem:s7+$0xFFFFFFC0] =	vst v13  }
0x7e: {  	v11 =	vld.idx.msk [tilespmem:v11+s19+$0x0], $0xffff;
	[tilespmem:s7+$0xFFFFFFD0] =	vst v8;
	v8 =	vunpack.i.u.bf16.f32 v16;
	v13 =	vunpack.i.l.bf16.f32 v16  }
0x7f: {  	v16 =	vld [tilespmem:s21+$0xFFFFFF80];
	[tilespmem:s7+$0xFFFFFF40] =	vst v12;
	v12 =	vmul.f32 v13, v0;
	v8 =	vmul.f32 v8, v0  }
0x80: {  	v13 =	vld [tilespmem:s21+$0xFFFFFFC0];
	[tilespmem:s7+$0xFFFFFF50] =	vst v14  }
0x81: {  	v14 =	vld [tilespmem:s21+$0x40];
	v17 =	vunpack.i.u.bf16.f32 v15;
	v15 =	vunpack.i.l.bf16.f32 v15;
	[tilespmem:s7+$0xC0] =	vst v12  }
0x82: {  	v12 =	vld [tilespmem:s9+$0xFFFFFFF0];
	v15 =	vmul.f32 v15, v3;
	v19 =	vmul.f32 v17, v3;
	[tilespmem:s7+$0xD0] =	vst v8  }
0x83: {  	v8 =	vunpack.i.l.bf16.f32 v7;
	v17 =	vld [tilespmem:s9+$0xFFFFFFB0];
	[tilespmem:s0+$0xE0] =	vst v6  }
0x84: {  	v7 =	vunpack.i.u.bf16.f32 v7;
	v8 =	vmul.f32 v8, v11;
	v3 =	vmovc v11;
	v6 =	vunpack.i.u.bf16.f32 v16;
	[tilespmem:s7+$0x70] =	vst v19;
	v18 =	vld [tilespmem:s9+$0x70];
	s9 =	smov.u32 s21  }
0x85: {  	v11 =	vunpack.i.l.bf16.f32 v16;
	v7 =	vmul.f32 v7, v3;
	s7 =	sadd.s32 $0x200, s7;
	v16 =	vunpack.i.u.bf16.f32 v13;
	[tilespmem:s1+$0x60] =	vst v15  }
0x86: {  	v13 =	vunpack.i.l.bf16.f32 v13;
	[tilespmem:s7+$0x0] =	vst v8;
	v8 =	vunpack.i.u.bf16.f32 v14;
	v14 =	vunpack.i.l.bf16.f32 v14  }
0x87: {  	v13 =	vmul.f32 v13, v10;
	v15 =	vmul.f32 v16, v10;
	[tilespmem:s7+$0x10] =	vst v7;
	v7 =	vunpack.i.u.bf16.f32 v12  }
0x88: {  	v11 =	vmul.f32 v11, v9;
	v6 =	vmul.f32 v6, v9;
	v12 =	vunpack.i.l.bf16.f32 v12;
	v16 =	vld [tilespmem:s21+$0x10];
	[tilespmem:s0+$0xF0] =	vst v5;
	s0 =	smov.u32 s1;
	s1 =	smov.u32 s7  }
0x89: {  	v5 =	vmul.f32 v14, v4;
	v14 =	vunpack.i.u.bf16.f32 v17;
	[tilespmem:s7+$0xFFFFFF80] =	vst v13;
	v13 =	vmul.f32 v8, v4  }
0x8a: {  	v8 =	vunpack.i.l.bf16.f32 v17;
	v17 =	vunpack.i.l.bf16.f32 v18;
	[tilespmem:s7+$0xFFFFFF90] =	vst v15;
	v15 =	vunpack.i.u.bf16.f32 v18  }
0x8b: {  	v12 =	vmul.f32 v12, v2;
	v18 =	vmul.f32 v7, v2;
	v2 =	vmov v10;
	[tilespmem:s7+$0xFFFFFF00] =	vst v11;
	v11 =	vld [tilespmem:s21+$0xFFFFFFD0]  }
0x8c: {  	v8 =	vmul.f32 v8, v1;
	v7 =	vmul.f32 v14, v1;
	v1 =	vmov v9;
	[tilespmem:s7+$0xFFFFFF10] =	vst v6  }
0x8d: {  	v6 =	vmul.f32 v17, v0;
	v10 =	vld [tilespmem:s21+$0xFFFFFF90];
	v9 =	vunpack.i.l.bf16.f32 v16;
	[tilespmem:s7+$0x80] =	vst v5;
	v5 =	vmul.f32 v15, v0;
	v0 =	vmovc v4  }
0x8e: {  	s11 =	sadd.s32 $0x3, s10;
	v4 =	vunpack.i.u.bf16.f32 v16;
	v9 =	vmul.f32 v9, v3;
	[tilespmem:s7+$0x90] =	vst v13  }
0x8f: {  	v14 =	vmov s11;
	v13 =	vmov s10;
	v4 =	vmul.f32 v4, v3;
	v15 =	vld [tilespmem:s21+$0x50];
	[tilespmem:s0+$0xFFFFFFE0] =	vst v12  }
0x90: {  	s11 =	sadd.s32 $0x1, s10;
	v12 =	vand.u32 $0xFFFFFFFC, v13;
	v13 =	vunpack.i.u.bf16.f32 v11;
	v11 =	vunpack.i.l.bf16.f32 v11;
	[tilespmem:s7+$0x20] =	vst v9  }
0x91: {  	v16 =	vmov s11;
	v11 =	vmul.f32 v11, v2;
	v13 =	vmul.f32 v13, v2;
	[tilespmem:s7+$0x30] =	vst v4  }
0x92: {  	v9 =	vbroadcast v12, $0x0;
	v4 =	vunpack.i.u.bf16.f32 v10;
	v10 =	vunpack.i.l.bf16.f32 v10;
	v17 =	vld [tilespmem:s21+$0x20];
	[tilespmem:s0+$0xFFFFFFF0] =	vst v18  }
0x93: {  	v12 =	vand.u32 $0xFFFFFFFD, v16;
	v16 =	vmul.f32 v10, v1;
	v4 =	vmul.f32 v4, v1;
	[tilespmem:s7+$0xFFFFFFA0] =	vst v11  }
.Ltmp2:
0x94: {  	v10 =	vbroadcast v12, $0x0;
	[tilespmem:s7+$0xFFFFFFB0] =	vst v13;
	v11 =	vunpack.i.u.bf16.f32 v15;
	v12 =	vunpack.i.l.bf16.f32 v15;
	(pc) =	sbr.rel @p0 .LBB2_3-.Ltmp2, $4  }
0x95: {  	s11 =	sadd.s32 $0x2, s10;
	[tilespmem:s7+$0xFFFFFF20] =	vst v16;
	v13 =	vld [tilespmem:s21+$0xFFFFFFE0];
	v15 =	vmul.f32 v12, v0;
	v16 =	vmul.f32 v11, v0  }
0x96: {  	v11 =	vmov s11;
	[tilespmem:s7+$0xFFFFFF30] =	vst v4  }
0x97: {  	v4 =	vand.u32 $0xFFFFFFFE, v11;
	v12 =	vld [tilespmem:s21+$0xFFFFFFA0];
	v18 =	vunpack.i.l.bf16.f32 v17;
	[tilespmem:s7+$0xA0] =	vst v15  }
0x98: {  	s10 =	sadd.s32 $0x4, s10;
	v11 =	vbroadcast v4, $0x0;
	v15 =	vunpack.i.u.bf16.f32 v17;
	v4 =	vld.idx.msk [tilespmem:v14+s19+$0x0], $0xffff;
	v14 =	vmul.f32 v18, v3;
	[tilespmem:s7+$0xB0] =	vst v16  }
0x99: {  	v15 =	vmul.f32 v15, v3;
	[tilespmem:s0+$0xFFFFFF60] =	vst v8  }
0x9a: {  	v16 =	vld [tilespmem:s21+$0x60];
	[tilespmem:s7+$0x40] =	vst v14  }
0x9b: {  	v8 =	vunpack.i.l.bf16.f32 v13;
	[tilespmem:s7+$0x50] =	vst v15  }
0x9c: {  	[tilespmem:s0+$0xFFFFFF70] =	vst v7;
	v13 =	vunpack.i.u.bf16.f32 v13;
	v8 =	vmul.f32 v8, v2;
	v15 =	vld [tilespmem:s9+$0x30]  }
0x9d: {  	s10 =	sadd.s32 $0x100, s21;
	[tilespmem:s0+$0xE0] =	vst v6;
	v13 =	vmul.f32 v13, v2;
	v14 =	vunpack.i.l.bf16.f32 v12  }
0x9e: {  	v7 =	vunpack.i.u.bf16.f32 v12;
	v12 =	vmul.f32 v14, v1;
	[tilespmem:s7+$0xFFFFFFC0] =	vst v8;
	v8 =	vld [tilespmem:s10+$0x0]  }
0x9f: {  	v11 =	vld.idx.msk [tilespmem:v11+s19+$0x0], $0xffff;
	v7 =	vmul.f32 v7, v1;
	[tilespmem:s7+$0xFFFFFFD0] =	vst v13;
	v13 =	vunpack.i.l.bf16.f32 v16  }
0xa0: {  	v14 =	vunpack.i.u.bf16.f32 v16;
	[tilespmem:s7+$0xFFFFFF40] =	vst v12;
	v12 =	vmul.f32 v13, v0  }
0xa1: {  	v13 =	vmul.f32 v14, v0;
	[tilespmem:s7+$0xFFFFFF50] =	vst v7;
	v7 =	vld [tilespmem:s10+$0xFFFFFFC0];
	v14 =	vunpack.i.u.bf16.f32 v15  }
0xa2: {  	v10 =	vld.idx.msk [tilespmem:v10+s19+$0x0], $0xffff;
	[tilespmem:s7+$0xC0] =	vst v12;
	v12 =	vunpack.i.l.bf16.f32 v15;
	v14 =	vmul.f32 v14, v3  }
0xa3: {  	[tilespmem:s7+$0xD0] =	vst v13;
	v13 =	vld [tilespmem:s10+$0xFFFFFF80];
	v3 =	vmul.f32 v12, v3;
	v12 =	vunpack.i.l.bf16.f32 v8  }
0xa4: {  	v6 =	vld.idx.msk [tilespmem:v9+s19+$0x0], $0xffff;
	v8 =	vunpack.i.u.bf16.f32 v8;
	v9 =	vmul.f32 v12, v11;
	[tilespmem:s7+$0x70] =	vst v14  }
0xa5: {  	s12 =	sadd.s32 $0x200, s7;
	v12 =	vld [tilespmem:s10+$0x40];
	v8 =	vmul.f32 v8, v11;
	[tilespmem:s1+$0x60] =	vst v3  }
0xa6: {  	v3 =	vunpack.i.l.bf16.f32 v7;
	[tilespmem:s12+$0x0] =	vst v9  }
0xa7: {  	v9 =	vld [tilespmem:s9+$0xFFFFFFF0];
	v7 =	vunpack.i.u.bf16.f32 v7;
	[tilespmem:s12+$0x10] =	vst v8;
	v3 =	vmul.f32 v3, v10  }
0xa8: {  	[tilespmem:s0+$0xF0] =	vst v5;
	v8 =	vunpack.i.l.bf16.f32 v13;
	v7 =	vmul.f32 v7, v10;
	v14 =	vld [tilespmem:s10+$0x10]  }
0xa9: {  	v5 =	vunpack.i.u.bf16.f32 v13;
	v8 =	vmul.f32 v8, v6;
	[tilespmem:s12+$0xFFFFFF80] =	vst v3  }
0xaa: {  	v5 =	vmul.f32 v5, v6;
	v3 =	vunpack.i.l.bf16.f32 v12;
	[tilespmem:s12+$0xFFFFFF90] =	vst v7  }
0xab: {  	v7 =	vunpack.i.u.bf16.f32 v12;
	v3 =	vmul.f32 v3, v4;
	[tilespmem:s12+$0xFFFFFF00] =	vst v8;
	v8 =	vld [tilespmem:s10+$0xFFFFFFD0]  }
0xac: {  	v7 =	vmul.f32 v7, v4;
	[tilespmem:s12+$0xFFFFFF10] =	vst v5;
	v12 =	vunpack.i.l.bf16.f32 v9  }
0xad: {  	v5 =	vmul.f32 v12, v2;
	v12 =	vld [tilespmem:s10+$0xFFFFFF90];
	v13 =	vunpack.i.l.bf16.f32 v14;
	[tilespmem:s12+$0x80] =	vst v3  }
0xae: {  	v3 =	vunpack.i.u.bf16.f32 v14;
	[tilespmem:s12+$0x90] =	vst v7;
	v13 =	vmul.f32 v13, v11  }
0xaf: {  	v7 =	vunpack.i.u.bf16.f32 v9;
	v3 =	vmul.f32 v3, v11;
	v9 =	vld [tilespmem:s10+$0x50];
	[tilespmem:s1+$0xFFFFFFE0] =	vst v5  }
0xb0: {  	v2 =	vmul.f32 v7, v2;
	v5 =	vunpack.i.l.bf16.f32 v8;
	[tilespmem:s12+$0x20] =	vst v13  }
0xb1: {  	v7 =	vld [tilespmem:s9+$0xFFFFFFB0];
	v8 =	vunpack.i.u.bf16.f32 v8;
	[tilespmem:s12+$0x30] =	vst v3;
	v5 =	vmul.f32 v5, v10  }
0xb2: {  	[tilespmem:s1+$0xFFFFFFF0] =	vst v2;
	v3 =	vmul.f32 v8, v10;
	v13 =	vld [tilespmem:s10+$0x20];
	v8 =	vunpack.i.l.bf16.f32 v12  }
0xb3: {  	v2 =	vunpack.i.u.bf16.f32 v12;
	v8 =	vmul.f32 v8, v6;
	[tilespmem:s12+$0xFFFFFFA0] =	vst v5  }
0xb4: {  	v2 =	vmul.f32 v2, v6;
	[tilespmem:s12+$0xFFFFFFB0] =	vst v3;
	v3 =	vunpack.i.l.bf16.f32 v9  }
0xb5: {  	v5 =	vunpack.i.u.bf16.f32 v9;
	v3 =	vmul.f32 v3, v4;
	[tilespmem:s12+$0xFFFFFF20] =	vst v8;
	v8 =	vld [tilespmem:s10+$0xFFFFFFE0]  }
0xb6: {  	v9 =	vunpack.i.l.bf16.f32 v7;
	v5 =	vmul.f32 v5, v4;
	[tilespmem:s12+$0xFFFFFF30] =	vst v2  }
0xb7: {  	v2 =	vmul.f32 v9, v1;
	v9 =	vld [tilespmem:s10+$0xFFFFFFA0];
	v12 =	vunpack.i.l.bf16.f32 v13;
	[tilespmem:s12+$0xA0] =	vst v3  }
0xb8: {  	v3 =	vunpack.i.u.bf16.f32 v13;
	[tilespmem:s12+$0xB0] =	vst v5;
	v12 =	vmul.f32 v12, v11  }
0xb9: {  	v5 =	vunpack.i.u.bf16.f32 v7;
	v3 =	vmul.f32 v3, v11;
	v7 =	vld [tilespmem:s10+$0x60];
	[tilespmem:s1+$0xFFFFFF60] =	vst v2  }
0xba: {  	v1 =	vmul.f32 v5, v1;
	[tilespmem:s12+$0x40] =	vst v12;
	v2 =	vunpack.i.l.bf16.f32 v8  }
0xbb: {  	v5 =	vld [tilespmem:s9+$0x70];
	[tilespmem:s12+$0x50] =	vst v3;
	v8 =	vunpack.i.u.bf16.f32 v8;
	v2 =	vmul.f32 v2, v10  }
0xbc: {  	[tilespmem:s1+$0xFFFFFF70] =	vst v1;
	v12 =	vld [tilespmem:s10+$0x30];
	v3 =	vmul.f32 v8, v10;
	v8 =	vunpack.i.l.bf16.f32 v9  }
0xbd: {  	v1 =	vunpack.i.u.bf16.f32 v9;
	v8 =	vmul.f32 v8, v6;
	[tilespmem:s12+$0xFFFFFFC0] =	vst v2  }
0xbe: {  	v1 =	vmul.f32 v1, v6;
	[tilespmem:s12+$0xFFFFFFD0] =	vst v3;
	v2 =	vunpack.i.l.bf16.f32 v7  }
0xbf: {  	v3 =	vunpack.i.u.bf16.f32 v7;
	[tilespmem:s12+$0xFFFFFF40] =	vst v8;
	v2 =	vmul.f32 v2, v4;
	v7 =	vld [tilespmem:s10+$0xFFFFFFF0]  }
0xc0: {  	v8 =	vunpack.i.l.bf16.f32 v5;
	v3 =	vmul.f32 v3, v4;
	[tilespmem:s12+$0xFFFFFF50] =	vst v1  }
0xc1: {  	v1 =	vmul.f32 v8, v0;
	v8 =	vunpack.i.u.bf16.f32 v12;
	[tilespmem:s12+$0xC0] =	vst v2;
	v2 =	vld [tilespmem:s10+$0xFFFFFFB0]  }
0xc2: {  	v9 =	vunpack.i.l.bf16.f32 v12;
	v8 =	vmul.f32 v8, v11;
	[tilespmem:s12+$0xD0] =	vst v3  }
0xc3: {  	v3 =	vunpack.i.u.bf16.f32 v5;
	v5 =	vmul.f32 v9, v11;
	[tilespmem:s1+$0xE0] =	vst v1;
	v1 =	vld [tilespmem:s10+$0x70]  }
0xc4: {  	v0 =	vmul.f32 v3, v0;
	[tilespmem:s12+$0x70] =	vst v8;
	v3 =	vunpack.i.l.bf16.f32 v7  }
0xc5: {  	[tilespmem:s12+$0x60] =	vst v5;
	v5 =	vunpack.i.u.bf16.f32 v7;
	v3 =	vmul.f32 v3, v10  }
0xc6: {  	[tilespmem:s1+$0xF0] =	vst v0;
	v5 =	vmul.f32 v5, v10;
	v0 =	vunpack.i.l.bf16.f32 v2  }
0xc7: {  	v2 =	vunpack.i.u.bf16.f32 v2;
	v0 =	vmul.f32 v0, v6;
	[tilespmem:s12+$0xFFFFFFE0] =	vst v3  }
0xc8: {  	v3 =	vunpack.i.l.bf16.f32 v1;
	v2 =	vmul.f32 v2, v6;
	[tilespmem:s12+$0xFFFFFFF0] =	vst v5  }
0xc9: {  	v1 =	vunpack.i.u.bf16.f32 v1;
	v3 =	vmul.f32 v3, v4;
	[tilespmem:s12+$0xFFFFFF60] =	vst v0  }
0xca: {  	v0 =	vmul.f32 v1, v4;
	[tilespmem:s12+$0xFFFFFF70] =	vst v2  }
0xcb: {  	s0 =	sshll.u32 s31, $0x1;
	p0 =	seq.s32 s31, $0x27;
	[tilespmem:s12+$0xE0] =	vst v3  }
0xcc: {  	s1 =	sadd.s32 @!p0 s0, s13;
	[tilespmem:s12+$0xF0] =	vst v0  }
0xcd: {  	[spmem:s3] =	stream.indirect.scatter.add.f32 [tilespmem:s26], [sflag:$0x3], $0x80, s20, s20, $0xb8;
	[tilespmem:$0x1BF00] =	vst v63  }
0xce: {  	s7 =	sshll.u32 @!p0 s1, $0x5;
	_ =	swait.ge [sflag:s18], $0x4000  }
0xcf: {  	s7 =	sand.u32 @!p0 $0x1FFFFFC0, s7;
	[sflag:s18] =	ssyncset.done $0x0  }
0xd0: {  	s9 =	simm.s32 @!p0 $0x0;
	s7 =	sadd.s32 @!p0 s2, s7;
	[sflag:s18] =	ssyncadd.s32 $0xFFFFC000  }
0xd1: {  	[tilespmem:s9], [sflag:$0x3] =	stream.linear.gather @!p0 [hbm4b:s7+s9], $0x100, $0x38;
	[tilespmem:$0x1BF00] =	vst v63  }
0xd2: {  	s7 =	simm.s32 @!p0 $0x3  }
0xd3: {  	s1 =	sshll.u32 @!p0 s1, $0x4;
	_ =	swait.ge @!p0 [sflag:s7], $0x100  }
0xd4: {  	s1 =	sand.u32 @!p0 $0x1FFFFFE0, s1;
	[sflag:s7] =	ssyncset.done @!p0 $0x0  }
0xd5: {  	s10 =	simm.s32 @!p0 $0x200;
	s1 =	sadd.s32 @!p0 s6, s1;
	[sflag:s7] =	ssyncadd.s32 @!p0 $0xFFFFFF00  }
0xd6: {  	[tilespmem:s10], [sflag:$0x3] =	stream.linear.gather @!p0 [hbm4b:s1+s9], $0x80, $0x38;
	[tilespmem:$0x1BF00] =	vst v63  }
0xd7: {  	_ =	swait.ge @!p0 [sflag:s7], $0x80  }
0xd8: {  	s21 =	simm.s32 $0x2;
	[sflag:s7] =	ssyncset.done @!p0 $0x0  }
0xd9: {  	v0 =	vmov s21;
	s1 =	simm.s32 @!p0 $0x80;
	[sflag:s7] =	ssyncadd.s32 @!p0 $0xFFFFFF80;
	s7 =	simm.s32 @!p0 $0x300  }
0xda: {  	v0 =	vand.u32 $0xFFFFFFFE, v0;
	[tilespmem:s7], [sflag:$0x1] =	stream.indirect.gather @!p0 [hbm4b:s5+s1], $0x40, s9, s1, $0xb8;
	[tilespmem:$0x1BF00] =	vst v63  }
0xdb: {  	v0 =	vbroadcast v0, $0x0;
	s7 =	simm.s32 $0x1  }
0xdc: {  	v1 =	vmov s7  }
0xdd: {  	s9 =	simm.s32 $0x0;
	_ =	swait.ge [sflag:s28], $0x2000;
	v1 =	vand.u32 $0xFFFFFFFD, v1  }
0xde: {  	v2 =	vmov s9;
	[sflag:s28] =	ssyncset.done $0x0;
	v1 =	vbroadcast v1, $0x0  }
0xdf: {  	s10 =	simm.s32 $0x2380;
	v2 =	vand.u32 $0xFFFFFFFC, v2;
	[sflag:s28] =	ssyncadd.s32 $0xFFFFE000  }
0xe0: {  	v2 =	vbroadcast v2, $0x0;
	v3 =	vld [tilespmem:s10+$0x0]  }
0xe1: {  	s11 =	simm.s32 $0x3;
	v7 =	vld.idx.msk [tilespmem:v0+s23+$0x0], $0xffff  }
0xe2: {  	v0 =	vmov s11  }
0xe3: {  	v8 =	vld [tilespmem:s10+$0xFFFFFFC0]  }
0xe4: {  	v6 =	vld.idx.msk [tilespmem:v1+s23+$0x0], $0xffff  }
0xe5: {  	v9 =	vld [tilespmem:s10+$0xFFFFFF80];
	v1 =	vunpack.i.l.bf16.f32 v3  }
0xe6: {  	v3 =	vunpack.i.u.bf16.f32 v3;
	v5 =	vld.idx.msk [tilespmem:v2+s23+$0x0], $0xffff;
	v1 =	vmul.f32 v1, v7  }
0xe7: {  	s1 =	simm.s32 $0x4400;
	v4 =	vld.idx.msk [tilespmem:v0+s23+$0x0], $0xffff;
	v2 =	vmul.f32 v3, v7  }
0xe8: {  	v0 =	vunpack.i.l.bf16.f32 v8;
	v3 =	vld [tilespmem:s10+$0x40];
	[tilespmem:s1+$0x0] =	vst v1  }
0xe9: {  	[tilespmem:s1+$0x10] =	vst v2;
	v1 =	vunpack.i.u.bf16.f32 v8;
	v0 =	vmul.f32 v0, v6  }
0xea: {  	v8 =	vunpack.i.l.bf16.f32 v9;
	v2 =	vld [tilespmem:s10+$0x10];
	v1 =	vmul.f32 v1, v6  }
0xeb: {  	v9 =	vunpack.i.u.bf16.f32 v9;
	v8 =	vmul.f32 v8, v5;
	[tilespmem:s1+$0xFFFFFF80] =	vst v0  }
0xec: {  	v9 =	vmul.f32 v9, v5;
	[tilespmem:s1+$0xFFFFFF90] =	vst v1  }
0xed: {  	v0 =	vunpack.i.l.bf16.f32 v3;
	v1 =	vunpack.i.u.bf16.f32 v3;
	[tilespmem:s1+$0xFFFFFF00] =	vst v8;
	v3 =	vld [tilespmem:s10+$0xFFFFFFD0]  }
0xee: {  	[tilespmem:s1+$0xFFFFFF10] =	vst v9;
	v0 =	vmul.f32 v0, v4  }
0xef: {  	v1 =	vmul.f32 v1, v4;
	v9 =	vld [tilespmem:s10+$0xFFFFFF90];
	v8 =	vunpack.i.l.bf16.f32 v2  }
0xf0: {  	[tilespmem:s1+$0x80] =	vst v0;
	v0 =	vunpack.i.u.bf16.f32 v2;
	v2 =	vmul.f32 v8, v7  }
0xf1: {  	[tilespmem:s1+$0x90] =	vst v1;
	v0 =	vmul.f32 v0, v7  }
0xf2: {  	v1 =	vld [tilespmem:s10+$0x50];
	[tilespmem:s1+$0x20] =	vst v2;
	v2 =	vunpack.i.l.bf16.f32 v3  }
0xf3: {  	[tilespmem:s1+$0x30] =	vst v0;
	v0 =	vunpack.i.u.bf16.f32 v3;
	v2 =	vmul.f32 v2, v6  }
0xf4: {  	s12 =	simm.s32 $0x4;
	v10 =	vunpack.i.l.bf16.f32 v9;
	v3 =	vld [tilespmem:s10+$0x20];
	v0 =	vmul.f32 v0, v6  }
0xf5: {  	v8 =	vmov s12;
	v9 =	vunpack.i.u.bf16.f32 v9;
	v10 =	vmul.f32 v10, v5;
	[tilespmem:s1+$0xFFFFFFA0] =	vst v2  }
0xf6: {  	s21 =	simm.s32 $0x7;
	s11 =	simm.s32 $0x6;
	v2 =	vand.u32 $0xFFFFFFFC, v8;
	v8 =	vmul.f32 v9, v5;
	[tilespmem:s1+$0xFFFFFFB0] =	vst v0  }
0xf7: {  	v11 =	vmov s21;
	v0 =	vunpack.i.l.bf16.f32 v1;
	[tilespmem:s1+$0xFFFFFF20] =	vst v10;
	v10 =	vmov s11;
	v9 =	vld [tilespmem:s10+$0xFFFFFFE0]  }
0xf8: {  	v1 =	vunpack.i.u.bf16.f32 v1;
	v0 =	vmul.f32 v0, v4;
	[tilespmem:s1+$0xFFFFFF30] =	vst v8;
	v8 =	vand.u32 $0xFFFFFFFE, v10  }
0xf9: {  	v1 =	vmul.f32 v1, v4;
	v10 =	vunpack.i.l.bf16.f32 v3;
	v8 =	vbroadcast v8, $0x0  }
0xfa: {  	s7 =	simm.s32 $0x2480;
	s12 =	simm.s32 $0x5;
	v2 =	vbroadcast v2, $0x0;
	v12 =	vld [tilespmem:s10+$0xFFFFFFA0];
	[tilespmem:s1+$0xA0] =	vst v0;
	v0 =	vunpack.i.u.bf16.f32 v3;
	v3 =	vmul.f32 v10, v7  }
0xfb: {  	v14 =	vld [tilespmem:s7+$0x0];
	[tilespmem:s1+$0xB0] =	vst v1;
	v10 =	vmov s12;
	v1 =	vmul.f32 v0, v7  }
0xfc: {  	v0 =	vand.u32 $0xFFFFFFFD, v10;
	v10 =	vld [tilespmem:s10+$0x60];
	[tilespmem:s1+$0x40] =	vst v3;
	v3 =	vunpack.i.l.bf16.f32 v9  }
0xfd: {  	v13 =	vbroadcast v0, $0x0;
	v0 =	vld.idx.msk [tilespmem:v11+s23+$0x0], $0xffff;
	[tilespmem:s1+$0x50] =	vst v1;
	v3 =	vmul.f32 v3, v6  }
0xfe: {  	v1 =	vunpack.i.u.bf16.f32 v9;
	v9 =	vld [tilespmem:s10+$0x30]  }
0xff: {  	v11 =	vmul.f32 v1, v6;
	v1 =	vunpack.i.l.bf16.f32 v12;
	[tilespmem:s1+$0xFFFFFFC0] =	vst v3;
	v3 =	vld.idx.msk [tilespmem:v8+s23+$0x0], $0xffff  }
0x100: {  	v12 =	vunpack.i.u.bf16.f32 v12;
	v15 =	vmul.f32 v1, v5;
	v1 =	vld.idx.msk [tilespmem:v2+s23+$0x0], $0xffff  }
0x101: {  	v8 =	vmul.f32 v12, v5;
	[tilespmem:s1+$0xFFFFFFD0] =	vst v11;
	v12 =	vld [tilespmem:s7+$0xFFFFFFC0];
	v2 =	vunpack.i.l.bf16.f32 v10  }
0x102: {  	v10 =	vunpack.i.u.bf16.f32 v10;
	[tilespmem:s1+$0xFFFFFF40] =	vst v15;
	v11 =	vmul.f32 v2, v4;
	v15 =	vld [tilespmem:s7+$0x40]  }
0x103: {  	v10 =	vmul.f32 v10, v4;
	[tilespmem:s1+$0xFFFFFF50] =	vst v8;
	v2 =	vld.idx.msk [tilespmem:v13+s23+$0x0], $0xffff;
	v8 =	vunpack.i.u.bf16.f32 v9  }
0x104: {  	v13 =	vld [tilespmem:s7+$0xFFFFFF80];
	[tilespmem:s1+$0xC0] =	vst v11;
	v8 =	vmul.f32 v8, v7;
	v11 =	vunpack.i.l.bf16.f32 v14  }
0x105: {  	[tilespmem:s1+$0xD0] =	vst v10;
	v10 =	vunpack.i.u.bf16.f32 v14;
	v11 =	vmul.f32 v11, v3  }
0x106: {  	s9 =	simm.s32 $0x4600;
	v9 =	vunpack.i.l.bf16.f32 v9;
	v14 =	vld [tilespmem:s10+$0xFFFFFFF0];
	[tilespmem:s1+$0x70] =	vst v8;
	v8 =	vmul.f32 v10, v3  }
0x107: {  	v7 =	vmul.f32 v9, v7;
	v9 =	vld [tilespmem:s10+$0xFFFFFFB0];
	v10 =	vunpack.i.l.bf16.f32 v12;
	[tilespmem:s9+$0x0] =	vst v11  }
0x108: {  	v12 =	vunpack.i.u.bf16.f32 v12;
	v11 =	vld [tilespmem:s10+$0x70];
	v16 =	vunpack.i.u.bf16.f32 v15;
	v10 =	vmul.f32 v10, v2;
	[tilespmem:s9+$0x10] =	vst v8  }
0x109: {  	[tilespmem:s1+$0x60] =	vst v7;
	v8 =	vunpack.i.l.bf16.f32 v13;
	v7 =	vmul.f32 v12, v2;
	v13 =	vunpack.i.u.bf16.f32 v13;
	v12 =	vld [tilespmem:s7+$0x10]  }
0x10a: {  	v8 =	vmul.f32 v8, v1;
	v13 =	vmul.f32 v13, v1;
	[tilespmem:s9+$0xFFFFFF80] =	vst v10;
	v10 =	vunpack.i.l.bf16.f32 v15  }
0x10b: {  	v15 =	vunpack.i.u.bf16.f32 v14;
	[tilespmem:s9+$0xFFFFFF90] =	vst v7;
	v7 =	vunpack.i.l.bf16.f32 v14;
	v14 =	vmul.f32 v16, v0  }
0x10c: {  	v17 =	vunpack.i.u.bf16.f32 v9;
	v10 =	vmul.f32 v10, v0;
	v16 =	vld [tilespmem:s7+$0xFFFFFFD0];
	[tilespmem:s9+$0xFFFFFF10] =	vst v13;
	v13 =	vmul.f32 v7, v6  }
0x10d: {  	[tilespmem:s9+$0xFFFFFF00] =	vst v8;
	v8 =	vunpack.i.l.bf16.f32 v9;
	v15 =	vmul.f32 v15, v6;
	v7 =	vmul.f32 v17, v5  }
0x10e: {  	s11 =	simm.s32 $0xB;
	v9 =	vunpack.i.u.bf16.f32 v11;
	v18 =	vld [tilespmem:s7+$0xFFFFFF90];
	v8 =	vmul.f32 v8, v5;
	[tilespmem:s9+$0x90] =	vst v14;
	v6 =	vunpack.i.l.bf16.f32 v12  }
0x10f: {  	v14 =	vmov s11;
	[tilespmem:s9+$0x80] =	vst v10;
	v10 =	vunpack.i.u.bf16.f32 v12;
	v12 =	vmul.f32 v6, v3  }
0x110: {  	s21 =	simm.s32 $0x8;
	[tilespmem:s1+$0xFFFFFFE0] =	vst v13;
	v5 =	vmul.f32 v9, v4;
	v6 =	vunpack.i.l.bf16.f32 v11;
	v10 =	vmul.f32 v10, v3;
	v11 =	vld [tilespmem:s7+$0x50]  }
0x111: {  	v9 =	vmov s21;
	v6 =	vmul.f32 v6, v4;
	v4 =	vunpack.i.l.bf16.f32 v16;
	[tilespmem:s9+$0x20] =	vst v12  }
0x112: {  	v9 =	vand.u32 $0xFFFFFFFC, v9;
	v12 =	vunpack.i.u.bf16.f32 v16;
	v4 =	vmul.f32 v4, v2;
	[tilespmem:s9+$0x30] =	vst v10  }
0x113: {  	s12 =	simm.s32 $0x9;
	[tilespmem:s1+$0xFFFFFFF0] =	vst v15;
	v9 =	vbroadcast v9, $0x0;
	v13 =	vunpack.i.u.bf16.f32 v18;
	v10 =	vmul.f32 v12, v2;
	v16 =	vld [tilespmem:s7+$0x20]  }
0x114: {  	v12 =	vunpack.i.l.bf16.f32 v18;
	v15 =	vmul.f32 v13, v1;
	[tilespmem:s9+$0xFFFFFFA0] =	vst v4;
	v4 =	vmov s12  }
0x115: {  	v12 =	vmul.f32 v12, v1;
	[tilespmem:s9+$0xFFFFFFB0] =	vst v10;
	v10 =	vunpack.i.l.bf16.f32 v11;
	v4 =	vand.u32 $0xFFFFFFFD, v4  }
0x116: {  	s21 =	simm.s32 $0xA;
	v11 =	vunpack.i.u.bf16.f32 v11;
	[tilespmem:s9+$0xFFFFFF30] =	vst v15;
	v17 =	vmul.f32 v10, v0;
	v13 =	vld [tilespmem:s7+$0xFFFFFFE0];
	v10 =	vbroadcast v4, $0x0  }
0x117: {  	[tilespmem:s9+$0xFFFFFF20] =	vst v12;
	v63 =	vmul.f32 v11, v0;
	v11 =	vmov s21  }
0x118: {  	v4 =	vand.u32 $0xFFFFFFFE, v11;
	v12 =	vld [tilespmem:s7+$0xFFFFFFA0];
	v19 =	vunpack.i.l.bf16.f32 v16;
	[tilespmem:s9+$0xA0] =	vst v17  }
0x119: {  	s10 =	simm.s32 $0x2480;
	s11 =	simm.s32 $0xC;
	s21 =	simm.s32 $0x4600;
	v11 =	vbroadcast v4, $0x0;
	v4 =	vld.idx.msk [tilespmem:v14+s23+$0x0], $0xffff;
	v15 =	vunpack.i.u.bf16.f32 v16;
	[tilespmem:s9+$0xB0] =	vst v63;
	v14 =	vmul.f32 v19, v3  }
.LBB2_5:
0x11a: {  	p1 =	slt.u32 s11, $0x7C;
	v15 =	vmul.f32 v15, v3;
	v16 =	vld [tilespmem:s7+$0x60];
	[tilespmem:s1+$0xFFFFFF60] =	vst v8  }
0x11b: {  	v9 =	vld.idx.msk [tilespmem:v9+s23+$0x0], $0xffff;
	v8 =	vunpack.i.u.bf16.f32 v13;
	v13 =	vunpack.i.l.bf16.f32 v13;
	[tilespmem:s9+$0x40] =	vst v14  }
0x11c: {  	v10 =	vld.idx.msk [tilespmem:v10+s23+$0x0], $0xffff;
	v13 =	vmul.f32 v13, v2;
	v8 =	vmul.f32 v8, v2;
	[tilespmem:s9+$0x50] =	vst v15  }
0x11d: {  	s7 =	sadd.s32 $0x100, s7;
	v14 =	vunpack.i.u.bf16.f32 v12;
	v12 =	vunpack.i.l.bf16.f32 v12;
	v15 =	vld [tilespmem:s10+$0x30];
	[tilespmem:s1+$0xFFFFFF70] =	vst v7  }
0x11e: {  	v7 =	vld [tilespmem:s7+$0x0];
	v12 =	vmul.f32 v12, v1;
	v14 =	vmul.f32 v14, v1;
	[tilespmem:s9+$0xFFFFFFC0] =	vst v13  }
0x11f: {  	v11 =	vld.idx.msk [tilespmem:v11+s23+$0x0], $0xffff;
	[tilespmem:s9+$0xFFFFFFD0] =	vst v8;
	v8 =	vunpack.i.u.bf16.f32 v16;
	v13 =	vunpack.i.l.bf16.f32 v16  }
0x120: {  	v16 =	vld [tilespmem:s7+$0xFFFFFF80];
	[tilespmem:s9+$0xFFFFFF40] =	vst v12;
	v12 =	vmul.f32 v13, v0;
	v8 =	vmul.f32 v8, v0  }
0x121: {  	v13 =	vld [tilespmem:s7+$0xFFFFFFC0];
	[tilespmem:s9+$0xFFFFFF50] =	vst v14  }
0x122: {  	v14 =	vld [tilespmem:s7+$0x40];
	v17 =	vunpack.i.u.bf16.f32 v15;
	v15 =	vunpack.i.l.bf16.f32 v15;
	[tilespmem:s9+$0xC0] =	vst v12  }
0x123: {  	v12 =	vld [tilespmem:s10+$0xFFFFFFF0];
	v15 =	vmul.f32 v15, v3;
	v19 =	vmul.f32 v17, v3;
	[tilespmem:s9+$0xD0] =	vst v8  }
0x124: {  	v8 =	vunpack.i.l.bf16.f32 v7;
	v17 =	vld [tilespmem:s10+$0xFFFFFFB0];
	[tilespmem:s1+$0xE0] =	vst v6  }
0x125: {  	v7 =	vunpack.i.u.bf16.f32 v7;
	v8 =	vmul.f32 v8, v11;
	v3 =	vmovc v11;
	v6 =	vunpack.i.u.bf16.f32 v16;
	[tilespmem:s9+$0x70] =	vst v19;
	v18 =	vld [tilespmem:s10+$0x70];
	s10 =	smov.u32 s7  }
0x126: {  	v11 =	vunpack.i.l.bf16.f32 v16;
	v7 =	vmul.f32 v7, v3;
	s9 =	sadd.s32 $0x200, s9;
	v16 =	vunpack.i.u.bf16.f32 v13;
	[tilespmem:s21+$0x60] =	vst v15  }
0x127: {  	v13 =	vunpack.i.l.bf16.f32 v13;
	[tilespmem:s9+$0x0] =	vst v8;
	v8 =	vunpack.i.u.bf16.f32 v14;
	v14 =	vunpack.i.l.bf16.f32 v14  }
0x128: {  	v13 =	vmul.f32 v13, v10;
	v15 =	vmul.f32 v16, v10;
	[tilespmem:s9+$0x10] =	vst v7;
	v7 =	vunpack.i.u.bf16.f32 v12  }
0x129: {  	v11 =	vmul.f32 v11, v9;
	v6 =	vmul.f32 v6, v9;
	v12 =	vunpack.i.l.bf16.f32 v12;
	v16 =	vld [tilespmem:s7+$0x10];
	[tilespmem:s1+$0xF0] =	vst v5;
	s1 =	smov.u32 s21;
	s21 =	smov.u32 s9  }
0x12a: {  	v5 =	vmul.f32 v14, v4;
	v14 =	vunpack.i.u.bf16.f32 v17;
	[tilespmem:s9+$0xFFFFFF80] =	vst v13;
	v13 =	vmul.f32 v8, v4  }
0x12b: {  	v8 =	vunpack.i.l.bf16.f32 v17;
	v17 =	vunpack.i.l.bf16.f32 v18;
	[tilespmem:s9+$0xFFFFFF90] =	vst v15;
	v15 =	vunpack.i.u.bf16.f32 v18  }
0x12c: {  	v12 =	vmul.f32 v12, v2;
	v18 =	vmul.f32 v7, v2;
	v2 =	vmov v10;
	[tilespmem:s9+$0xFFFFFF00] =	vst v11;
	v11 =	vld [tilespmem:s7+$0xFFFFFFD0]  }
0x12d: {  	v8 =	vmul.f32 v8, v1;
	v7 =	vmul.f32 v14, v1;
	v1 =	vmov v9;
	[tilespmem:s9+$0xFFFFFF10] =	vst v6  }
0x12e: {  	v6 =	vmul.f32 v17, v0;
	v10 =	vld [tilespmem:s7+$0xFFFFFF90];
	v9 =	vunpack.i.l.bf16.f32 v16;
	[tilespmem:s9+$0x80] =	vst v5;
	v5 =	vmul.f32 v15, v0;
	v0 =	vmovc v4  }
0x12f: {  	s12 =	sadd.s32 $0x3, s11;
	v4 =	vunpack.i.u.bf16.f32 v16;
	v9 =	vmul.f32 v9, v3;
	[tilespmem:s9+$0x90] =	vst v13  }
0x130: {  	v14 =	vmov s12;
	v13 =	vmov s11;
	v4 =	vmul.f32 v4, v3;
	v15 =	vld [tilespmem:s7+$0x50];
	[tilespmem:s1+$0xFFFFFFE0] =	vst v12  }
0x131: {  	s12 =	sadd.s32 $0x1, s11;
	v12 =	vand.u32 $0xFFFFFFFC, v13;
	v13 =	vunpack.i.u.bf16.f32 v11;
	v11 =	vunpack.i.l.bf16.f32 v11;
	[tilespmem:s9+$0x20] =	vst v9  }
0x132: {  	v16 =	vmov s12;
	v11 =	vmul.f32 v11, v2;
	v13 =	vmul.f32 v13, v2;
	[tilespmem:s9+$0x30] =	vst v4  }
0x133: {  	v9 =	vbroadcast v12, $0x0;
	v4 =	vunpack.i.u.bf16.f32 v10;
	v10 =	vunpack.i.l.bf16.f32 v10;
	v17 =	vld [tilespmem:s7+$0x20];
	[tilespmem:s1+$0xFFFFFFF0] =	vst v18  }
0x134: {  	v12 =	vand.u32 $0xFFFFFFFD, v16;
	v16 =	vmul.f32 v10, v1;
	v4 =	vmul.f32 v4, v1;
	[tilespmem:s9+$0xFFFFFFA0] =	vst v11  }
.Ltmp3:
0x135: {  	v10 =	vbroadcast v12, $0x0;
	[tilespmem:s9+$0xFFFFFFB0] =	vst v13;
	v11 =	vunpack.i.u.bf16.f32 v15;
	v12 =	vunpack.i.l.bf16.f32 v15;
	(pc) =	sbr.rel @p1 .LBB2_5-.Ltmp3, $4  }
0x136: {  	s12 =	sadd.s32 $0x2, s11;
	[tilespmem:s9+$0xFFFFFF20] =	vst v16;
	v13 =	vld [tilespmem:s7+$0xFFFFFFE0];
	v15 =	vmul.f32 v12, v0;
	v16 =	vmul.f32 v11, v0  }
0x137: {  	v11 =	vmov s12;
	[tilespmem:s9+$0xFFFFFF30] =	vst v4  }
0x138: {  	v4 =	vand.u32 $0xFFFFFFFE, v11;
	v12 =	vld [tilespmem:s7+$0xFFFFFFA0];
	v18 =	vunpack.i.l.bf16.f32 v17;
	[tilespmem:s9+$0xA0] =	vst v15  }
0x139: {  	s11 =	sadd.s32 $0x4, s11;
	v11 =	vbroadcast v4, $0x0;
	v15 =	vunpack.i.u.bf16.f32 v17;
	v4 =	vld.idx.msk [tilespmem:v14+s23+$0x0], $0xffff;
	v14 =	vmul.f32 v18, v3;
	[tilespmem:s9+$0xB0] =	vst v16  }
0x13a: {  	_ =	sdelay $0x1  }
0x13b: {  	[tilespmem:s1+$0xFFFFFF60] =	vst v8  }
0x13c: {  	v16 =	vld [tilespmem:s7+$0x60];
	[tilespmem:s1+$0xFFFFFF70] =	vst v7  }
0x13d: {  	v10 =	vld.idx.msk [tilespmem:v10+s23+$0x0], $0xffff;
	[tilespmem:s1+$0xE0] =	vst v6  }
0x13e: {  	v15 =	vmul.f32 v15, v3;
	s11 =	sadd.s32 $0x100, s7;
	v6 =	vld.idx.msk [tilespmem:v9+s23+$0x0], $0xffff;
	[tilespmem:s1+$0xF0] =	vst v5;
	v42 =	vunpack.i.l.bf16.f32 v13  }
0x13f: {  	[tilespmem:s9+$0x40] =	vst v14;
	v43 =	vunpack.i.u.bf16.f32 v13;
	v47 =	vld [tilespmem:s11+$0x0];
	v8 =	vmul.f32 v42, v2  }
0x140: {  	v11 =	vld.idx.msk [tilespmem:v11+s23+$0x0], $0xffff;
	[tilespmem:s9+$0x50] =	vst v15;
	v13 =	vmul.f32 v43, v2;
	v44 =	vunpack.i.l.bf16.f32 v12  }
0x141: {  	v52 =	vld [tilespmem:s11+$0xFFFFFFC0];
	v45 =	vunpack.i.u.bf16.f32 v12;
	v46 =	vmul.f32 v44, v1;
	[tilespmem:s9+$0xFFFFFFC0] =	vst v8  }
0x142: {  	v55 =	vld [tilespmem:s11+$0xFFFFFF80];
	v7 =	vmul.f32 v45, v1;
	[tilespmem:s9+$0xFFFFFFD0] =	vst v13;
	v48 =	vunpack.i.l.bf16.f32 v16  }
0x143: {  	v15 =	vld [tilespmem:s10+$0x30];
	v49 =	vunpack.i.u.bf16.f32 v16;
	[tilespmem:s9+$0xFFFFFF40] =	vst v46;
	v50 =	vmul.f32 v48, v0  }
0x144: {  	v51 =	vmul.f32 v49, v0;
	[tilespmem:s9+$0xFFFFFF50] =	vst v7;
	v57 =	vunpack.i.l.bf16.f32 v47  }
0x145: {  	v8 =	vunpack.i.u.bf16.f32 v47;
	v58 =	vmul.f32 v57, v11;
	[tilespmem:s9+$0xC0] =	vst v50  }
0x146: {  	s12 =	sadd.s32 $0x200, s9;
	v59 =	vld [tilespmem:s11+$0x40];
	v7 =	vunpack.i.u.bf16.f32 v52;
	v8 =	vmul.f32 v8, v11;
	[tilespmem:s9+$0xD0] =	vst v51  }
0x147: {  	v13 =	vunpack.i.u.bf16.f32 v55;
	v7 =	vmul.f32 v7, v10;
	[tilespmem:s12+$0x0] =	vst v58  }
0x148: {  	v5 =	vmul.f32 v13, v6;
	v53 =	vunpack.i.u.bf16.f32 v15;
	[tilespmem:s12+$0x10] =	vst v8  }
0x149: {  	v61 =	vld [tilespmem:s10+$0xFFFFFFF0];
	v60 =	vunpack.i.l.bf16.f32 v52;
	v54 =	vunpack.i.l.bf16.f32 v15;
	v14 =	vmul.f32 v53, v3;
	[tilespmem:s12+$0xFFFFFF90] =	vst v7  }
0x14a: {  	v62 =	vunpack.i.l.bf16.f32 v55;
	v56 =	vmul.f32 v54, v3;
	v3 =	vmul.f32 v60, v10;
	[tilespmem:s12+$0xFFFFFF10] =	vst v5  }
0x14b: {  	v16 =	vunpack.i.u.bf16.f32 v59;
	v8 =	vmul.f32 v62, v6;
	v63 =	vld [tilespmem:s11+$0x10];
	[tilespmem:s9+$0x70] =	vst v14  }
0x14c: {  	v7 =	vmul.f32 v16, v4;
	[tilespmem:s12+$0xFFFFFF80] =	vst v3  }
0x14d: {  	v15 =	vunpack.i.l.bf16.f32 v59;
	[tilespmem:s12+$0xFFFFFF00] =	vst v8;
	v17 =	vld [tilespmem:s11+$0xFFFFFFD0]  }
0x14e: {  	v18 =	vunpack.i.l.bf16.f32 v61;
	v3 =	vmul.f32 v15, v4;
	[tilespmem:s12+$0x90] =	vst v7  }
0x14f: {  	v23 =	vunpack.i.u.bf16.f32 v61;
	v19 =	vmul.f32 v18, v2;
	[tilespmem:s21+$0x60] =	vst v56;
	v20 =	vld [tilespmem:s11+$0xFFFFFF90]  }
0x150: {  	v25 =	vmul.f32 v23, v2;
	[tilespmem:s12+$0x80] =	vst v3;
	v21 =	vunpack.i.l.bf16.f32 v63  }
0x151: {  	[tilespmem:s21+$0xFFFFFFE0] =	vst v19;
	v24 =	vld [tilespmem:s11+$0x50];
	v22 =	vunpack.i.u.bf16.f32 v63;
	v13 =	vmul.f32 v21, v11  }
0x152: {  	[tilespmem:s21+$0xFFFFFFF0] =	vst v25;
	v3 =	vmul.f32 v22, v11;
	v26 =	vunpack.i.l.bf16.f32 v17  }
0x153: {  	v27 =	vld [tilespmem:s10+$0xFFFFFFB0];
	v8 =	vunpack.i.u.bf16.f32 v17;
	[tilespmem:s12+$0x20] =	vst v13;
	v5 =	vmul.f32 v26, v10  }
0x154: {  	v29 =	vunpack.i.l.bf16.f32 v20;
	[tilespmem:s12+$0x30] =	vst v3;
	v28 =	vmul.f32 v8, v10  }
0x155: {  	v30 =	vunpack.i.u.bf16.f32 v20;
	v8 =	vmul.f32 v29, v6;
	v13 =	vld [tilespmem:s11+$0x20];
	[tilespmem:s12+$0xFFFFFFA0] =	vst v5  }
0x156: {  	v2 =	vmul.f32 v30, v6;
	v31 =	vunpack.i.l.bf16.f32 v24;
	[tilespmem:s12+$0xFFFFFFB0] =	vst v28  }
0x157: {  	v32 =	vunpack.i.u.bf16.f32 v24;
	[tilespmem:s12+$0xFFFFFF20] =	vst v8;
	v3 =	vmul.f32 v31, v4;
	v33 =	vld [tilespmem:s11+$0xFFFFFFE0]  }
0x158: {  	v34 =	vunpack.i.l.bf16.f32 v27;
	v5 =	vmul.f32 v32, v4;
	[tilespmem:s12+$0xFFFFFF30] =	vst v2  }
0x159: {  	v39 =	vunpack.i.u.bf16.f32 v27;
	v35 =	vmul.f32 v34, v1;
	v36 =	vld [tilespmem:s11+$0xFFFFFFA0];
	[tilespmem:s12+$0xA0] =	vst v3  }
0x15a: {  	v41 =	vmul.f32 v39, v1;
	[tilespmem:s12+$0xB0] =	vst v5;
	v37 =	vunpack.i.l.bf16.f32 v13  }
0x15b: {  	[tilespmem:s21+$0xFFFFFF60] =	vst v35;
	v40 =	vld [tilespmem:s11+$0x60];
	v38 =	vunpack.i.u.bf16.f32 v13;
	v12 =	vmul.f32 v37, v11  }
0x15c: {  	[tilespmem:s21+$0xFFFFFF70] =	vst v41;
	v3 =	vmul.f32 v38, v11;
	v42 =	vunpack.i.l.bf16.f32 v33  }
0x15d: {  	v43 =	vld [tilespmem:s10+$0x70];
	v8 =	vunpack.i.u.bf16.f32 v33;
	[tilespmem:s12+$0x40] =	vst v12;
	v2 =	vmul.f32 v42, v10  }
0x15e: {  	v45 =	vunpack.i.l.bf16.f32 v36;
	[tilespmem:s12+$0x50] =	vst v3;
	v44 =	vmul.f32 v8, v10  }
0x15f: {  	v46 =	vunpack.i.u.bf16.f32 v36;
	v8 =	vmul.f32 v45, v6;
	v12 =	vld [tilespmem:s11+$0x30];
	[tilespmem:s12+$0xFFFFFFC0] =	vst v2  }
0x160: {  	v1 =	vmul.f32 v46, v6;
	v47 =	vunpack.i.l.bf16.f32 v40;
	[tilespmem:s12+$0xFFFFFFD0] =	vst v44  }
0x161: {  	v48 =	vunpack.i.u.bf16.f32 v40;
	[tilespmem:s12+$0xFFFFFF40] =	vst v8;
	v2 =	vmul.f32 v47, v4;
	v49 =	vld [tilespmem:s11+$0xFFFFFFF0]  }
0x162: {  	v50 =	vunpack.i.l.bf16.f32 v43;
	v3 =	vmul.f32 v48, v4;
	[tilespmem:s12+$0xFFFFFF50] =	vst v1  }
0x163: {  	v55 =	vunpack.i.u.bf16.f32 v43;
	v51 =	vmul.f32 v50, v0;
	v53 =	vld [tilespmem:s11+$0xFFFFFFB0];
	[tilespmem:s12+$0xC0] =	vst v2  }
0x164: {  	v58 =	vmul.f32 v55, v0;
	[tilespmem:s12+$0xD0] =	vst v3;
	v52 =	vunpack.i.u.bf16.f32 v12  }
0x165: {  	[tilespmem:s21+$0xE0] =	vst v51;
	v57 =	vld [tilespmem:s11+$0x70];
	v54 =	vunpack.i.l.bf16.f32 v12;
	v8 =	vmul.f32 v52, v11  }
0x166: {  	[tilespmem:s21+$0xF0] =	vst v58;
	v56 =	vmul.f32 v54, v11;
	v59 =	vunpack.i.l.bf16.f32 v49  }
0x167: {  	v60 =	vunpack.i.u.bf16.f32 v49;
	[tilespmem:s12+$0x70] =	vst v8;
	v3 =	vmul.f32 v59, v10  }
0x168: {  	v61 =	vunpack.i.l.bf16.f32 v53;
	[tilespmem:s12+$0x60] =	vst v56;
	v5 =	vmul.f32 v60, v10  }
0x169: {  	v2 =	vunpack.i.u.bf16.f32 v53;
	v0 =	vmul.f32 v61, v6;
	[tilespmem:s12+$0xFFFFFFE0] =	vst v3  }
0x16a: {  	v2 =	vmul.f32 v2, v6;
	v62 =	vunpack.i.l.bf16.f32 v57;
	[tilespmem:s12+$0xFFFFFFF0] =	vst v5  }
0x16b: {  	v1 =	vunpack.i.u.bf16.f32 v57;
	v3 =	vmul.f32 v62, v4;
	[tilespmem:s12+$0xFFFFFF60] =	vst v0  }
0x16c: {  	v63 =	vmul.f32 v1, v4;
	[tilespmem:s12+$0xFFFFFF70] =	vst v2  }
0x16d: {  	[tilespmem:s12+$0xE0] =	vst v3  }
.Ltmp4:
0x16e: {  	[tilespmem:s12+$0xF0] =	vst v63;
	(pc) =	sbr.rel @p0 .LBB2_8-.Ltmp4, $4  }
0x16f: {  	[spmem:s3] =	stream.indirect.scatter.add.f32 [tilespmem:s26], [sflag:$0x3], $0x80, s29, s20, $0xb8;
	[tilespmem:$0x1BF00] =	vst v63  }
0x170: {  	_ =	swait.ge [sflag:s18], $0x4000  }
0x171: {  	[sflag:s18] =	ssyncset.done $0x0  }
0x172: {  	[sflag:s18] =	ssyncadd.s32 $0xFFFFC000  }
0x173: {  	s0 =	sadd.s32 s0, s14  }
0x174: {  	s1 =	sshll.u32 s0, $0x5  }
0x175: {  	s1 =	sand.u32 $0x1FFFFFE0, s1  }
0x176: {  	s1 =	sadd.s32 s2, s1  }
0x177: {  	[tilespmem:s22], [sflag:$0x3] =	stream.linear.gather [hbm4b:s1+s4], $0x100, $0x38;
	[tilespmem:$0x1BF00] =	vst v63  }
0x178: {  	s0 =	sshll.u32 s0, $0x4;
	_ =	swait.ge [sflag:s18], $0x100  }
0x179: {  	s0 =	sand.u32 $0x1FFFFFF0, s0;
	[sflag:s18] =	ssyncset.done $0x0  }
0x17a: {  	s0 =	sadd.s32 s6, s0;
	[sflag:s18] =	ssyncadd.s32 $0xFFFFFF00  }
0x17b: {  	[tilespmem:s23], [sflag:$0x3] =	stream.linear.gather [hbm4b:s0+s4], $0x80, $0x38;
	[tilespmem:$0x1BF00] =	vst v63  }
.Ltmp5:
0x17c: {  	_ = 	snop;
	(pc) =	sbr.rel .LBB2_2-.Ltmp5, $4  }
0x17d: {  	_ =	swait.ge [sflag:s18], $0x80  }
0x17e: {  	[sflag:s18] =	ssyncset.done $0x0  }
0x17f: {  	s31 =	sadd.s32 $0x1, s31;
	[sflag:s18] =	ssyncadd.s32 $0xFFFFFF80  }
0x180: {  	[tilespmem:s24], [sflag:$0x2] =	stream.indirect.gather [hbm4b:s5+s20], $0x40, s22, s20, $0xb8;
	[tilespmem:$0x1BF00] =	vst v63  }
.LBB2_9:
0x181: {  	_ =	sfence.sel $0x180000  }
0x182: {  	[bflag:$0x0] =	sbarrier.arrive $0xFFFF  }
0x183: {  	_ =	strace $0x90000047  }
0x184: {  	s0 =	stileid.u32;
	[bflag:$0x2] =	sbarrier.arrive $0xFFFF  }
0x185: {  	p0 =	sne.s32 s0, $0x0;
	s0 =	rddreg [dreg:$0x3]  }
0x186: {  	s0 =	sadd.s32 @!p0 $0x100000, s0  }
0x187: {  	[sflag:s0] =	ssyncadd.tile.s32 @!p0 $0x1;
	_ =	shalt  }
.Lfunc_end2:
_tile_overlayer_lowered:
.L_overlay_start_2:
0x188: {  	(tag) =	ssettag $0x2  }
0x189: {  	s0 =	rddreg [dreg:$0x0];
	s2 =	stileid.u32  }
0x18a: {  	s1 =	rddreg [dreg:$0x1];
	p0 =	sne.s32 s2, $0x0  }
0x18b: {  	s3 =	rddreg [dreg:$0x2];
	[bflag:$0x3] =	sbarrier.arrive $0xFFFF;
	s2 =	simm.s32 @!p0 $0x1C03  }
0x18c: {  	[timem:s3], [sflag:s2] =	dma.local @!p0 [hbm:s0], s1  }
0x18d: {  	s0 =	simm.s32 @!p0 $0x3  }
0x18e: {  	_ =	swait.ge @!p0 [sflag:s0], s1  }
0x18f: {  	s1 =	ssub.s32 @!p0 $0x0, s1;
	[sflag:s0] =	ssyncset.done @!p0 $0x0  }
0x190: {  	[sflag:s0] =	ssyncadd.s32 @!p0 s1  }
0x191: {  	[bflag:$0x3] =	sbarrier.arrive $0xFFFF  }
0x192: {  	_ =	shalt  }

</sc_bundles>
